<compile_context>
chip_gen: v7x
topology: tpu7x:2x2x1
jax: 0.10.2.dev20260603
libtpu: 0.0.44.dev20260713+nightly
codegen_flags: <defaults>
</compile_context>

<pallas_src>
import functools

import jax
import jax.numpy as jnp
from jax import lax
from jax.experimental import pallas as pl
from jax.experimental.pallas import tpu as pltpu
from jax.experimental.pallas import tpu_sc as plsc

DIM = 64
TWO_DIM = 2 * DIM
BPOS = 4096
NW = 32
PER_W = BPOS // NW
LANES = 16
CH = 64
NCH = PER_W // CH

_mesh = plsc.VectorSubcoreMesh(core_axis_name="c", subcore_axis_name="s")


def _y16(h_re, h_im, t_re, t_im, x):
    x2 = x * x
    c = 1.0 + x2 * (-0.5 + x2 * (1.0 / 24.0 + x2 * (-1.0 / 720.0 + x2 * (1.0 / 40320.0))))
    s = x * (1.0 + x2 * (-1.0 / 6.0 + x2 * (1.0 / 120.0 + x2 * (-1.0 / 5040.0))))
    sre = h_re * c - h_im * s - t_re
    sim = h_re * s + h_im * c - t_im
    return sre * sre + sim * sim


@functools.partial(
    pl.kernel,
    out_type=jax.ShapeDtypeStruct((NW, PER_W, DIM), jnp.float32),
    mesh=_mesh,
    scratch_types=[
        pltpu.VMEM((3, PER_W), jnp.int32),
        pltpu.VMEM((PER_W, TWO_DIM), jnp.float32),
        pltpu.VMEM((PER_W, TWO_DIM), jnp.float32),
        pltpu.VMEM((PER_W, TWO_DIM), jnp.float32),
        pltpu.VMEM((PER_W, DIM), jnp.float32),
        pltpu.SemaphoreType.DMA,
        pltpu.SemaphoreType.DMA,
        pltpu.SemaphoreType.DMA,
    ],
)
def _sc_rotate(ent_hbm, rel_hbm, idx_hbm, out_hbm,
               idx_v, h_rows_v, t_rows_v, r_rows_v, y_v, sem0, sem1, wsem):
    wid = lax.axis_index("s") * 2 + lax.axis_index("c")
    pltpu.sync_copy(idx_hbm.at[wid], idx_v)
    sems = (sem0, sem1)
    copies = []
    for k in range(NCH):
        sl = pl.ds(k * CH, CH)
        copies.append((
            pltpu.async_copy(ent_hbm.at[idx_v.at[0, sl]], h_rows_v.at[sl], sems[k]),
            pltpu.async_copy(ent_hbm.at[idx_v.at[1, sl]], t_rows_v.at[sl], sems[k]),
            pltpu.async_copy(rel_hbm.at[idx_v.at[2, sl]], r_rows_v.at[sl], sems[k]),
        ))

    def row_body(row, carry):
        for d in range(DIM // LANES):
            h_re = h_rows_v[row, pl.ds(d * LANES, LANES)]
            h_im = h_rows_v[row, pl.ds(DIM + d * LANES, LANES)]
            t_re = t_rows_v[row, pl.ds(d * LANES, LANES)]
            t_im = t_rows_v[row, pl.ds(DIM + d * LANES, LANES)]
            x = r_rows_v[row, pl.ds(DIM + d * LANES, LANES)]
            y_v[row, pl.ds(d * LANES, LANES)] = _y16(h_re, h_im, t_re, t_im, x)
        return carry

    writes = []
    for k in range(NCH):
        for c in copies[k]:
            c.wait()
        lax.fori_loop(k * CH, (k + 1) * CH, row_body, jnp.int32(0))
        writes.append(pltpu.async_copy(
            y_v.at[pl.ds(k * CH, CH)], out_hbm.at[wid, pl.ds(k * CH, CH)], wsem))
    for w in writes:
        w.wait()


def _tc_sqrt_reduce_body(y_ref, out_ref):
    dist = jnp.sqrt(y_ref[...])
    out_ref[...] = jnp.reshape(jnp.sum(dist) * (1.0 / (BPOS * DIM)), (1, 1))


def kernel(px, nx, py, ny, entity_embedding, relation_embedding):
    idx = jnp.stack([px[:, 0], px[:, 2], px[:, 1]], axis=0)
    idx = idx.reshape(3, NW, PER_W).transpose(1, 0, 2)
    y = _sc_rotate(entity_embedding, relation_embedding, idx)
    loss2d = pl.pallas_call(
        _tc_sqrt_reduce_body,
        out_shape=jax.ShapeDtypeStruct((1, 1), jnp.float32),
    )(y.reshape(BPOS * DIM // 128, 128))
    return loss2d[0, 0]

# --- scband reference (transcript-rebuilt; emitter-appended) ---
"""Pipeline reference for scband-rotat-e-21260088115439 (READ-ONLY COPY).

The authoritative reference and input builder live on the scoring server;
editing this copy changes nothing except your own understanding.
"""

import jax, jax.numpy as jnp
import numpy as np

NENTITY = 100000
NRELATION = 1000
DIM = 64
GAMMA = 12.0
NEG_RATIO = 16
BPOS = 4096
BNEG = 65536


def setup_inputs(seed: int = 0) -> dict:
    key = jax.random.key(seed)
    k1, k2, k3, k4, k5, k6, k7, k8 = jax.random.split(key, 8)
    ph = jax.random.randint(k1, (BPOS,), 0, NENTITY)
    pr = jax.random.randint(k2, (BPOS,), 0, NRELATION)
    pt = jax.random.randint(k3, (BPOS,), 0, NENTITY)
    px = jnp.stack([ph, pr, pt], axis=1)
    nh = jax.random.randint(k4, (BNEG,), 0, NENTITY)
    nr = jax.random.randint(k5, (BNEG,), 0, NRELATION)
    nt = jax.random.randint(k6, (BNEG,), 0, NENTITY)
    nx = jnp.stack([nh, nr, nt], axis=1)
    lim_e = float(np.sqrt(6.0 / (NENTITY + 2 * DIM)))
    lim_r = float(np.sqrt(6.0 / (NRELATION + 2 * DIM)))
    entity_embedding = jax.random.uniform(k7, (NENTITY, 2 * DIM), minval=-lim_e, maxval=lim_e, dtype=jnp.float32)
    relation_embedding = jax.random.uniform(k8, (NRELATION, 2 * DIM), minval=-lim_r, maxval=lim_r, dtype=jnp.float32)
    py = jnp.zeros((BPOS,), dtype=jnp.float32)
    ny = jnp.zeros((BNEG,), dtype=jnp.float32)
    return {"px": px, "nx": nx, "py": py, "ny": ny,
            "entity_embedding": entity_embedding, "relation_embedding": relation_embedding}


def _split_and_embed(triplets, ent_table, rel_table):
    heads = triplets[:, 0]
    relations = triplets[:, 1]
    tails = triplets[:, 2]
    # single fused gather over entity table (heads then tails), like the torch code
    emb = jnp.take(ent_table, jnp.concatenate([heads, tails], axis=0), axis=0)
    n = heads.shape[0]
    h_re = emb[:n, :DIM]
    h_im = emb[:n, DIM:]
    t_re = emb[n:, :DIM]
    t_im = emb[n:, DIM:]
    r_emb = jnp.take(rel_table, relations, axis=0)
    return h_re, h_im, r_emb, t_re, t_im


def _calc(h_re, h_im, r_emb, t_re, t_im):
    r_im = r_emb[:, DIM:]
    rotated_h_re = h_re * jnp.cos(r_im) - h_im * jnp.sin(r_im)
    rotated_h_im = h_re * jnp.sin(r_im) + h_im * jnp.cos(r_im)
    score_re = rotated_h_re - t_re
    score_im = rotated_h_im - t_im
    # torch.norm(stack([re, im], -1), dim=-1, p=2): element-wise complex magnitude -> [B, DIM]
    scores = jnp.sqrt(score_re ** 2 + score_im ** 2)
    return GAMMA - scores


def reference(px, nx, py, ny, entity_embedding, relation_embedding):
    ph_re, ph_im, pr_emb, pt_re, pt_im = _split_and_embed(px, entity_embedding, relation_embedding)
    nh_re, nh_im, nr_emb, nt_re, nt_im = _split_and_embed(nx, entity_embedding, relation_embedding)
    positive_score = _calc(ph_re, ph_im, pr_emb, pt_re, pt_im)
    negative_scores = _calc(nh_re, nh_im, nr_emb, nt_re, nt_im).reshape(-1, NEG_RATIO)
    positive_loss = jnp.mean(jax.nn.relu(GAMMA - positive_score))
    negative_loss = jnp.mean(jax.nn.relu(negative_scores - GAMMA))
    loss = positive_loss + negative_loss
    # args.regularization == 0.0, so no regularization term
    return loss

if __name__ == "__main__":
    import jax
    _d = setup_inputs()
    print(jax.jit(kernel)(*tuple(_d.values())))

</pallas_src>

<mosaic_0001>
#map = affine_map<(d0, d1) -> (0, 0)>
#map1 = affine_map<(d0, d1) -> (0, 0, 0)>
module attributes {stable_mosaic.version = 14 : i64} {
  func.func @_sc_rotate(%arg0: i32, %arg1: i32, %arg2: memref<100000x128xf32, #tpu.memory_space<hbm>>, %arg3: memref<1000x128xf32, #tpu.memory_space<hbm>>, %arg4: memref<32x3x128xi32, #tpu.memory_space<hbm>>, %arg5: memref<32x128x64xf32, #tpu.memory_space<hbm>>, %arg6: memref<3x128xi32, #tpu.memory_space<vmem>>, %arg7: memref<128x128xf32, #tpu.memory_space<vmem>>, %arg8: memref<128x128xf32, #tpu.memory_space<vmem>>, %arg9: memref<128x128xf32, #tpu.memory_space<vmem>>, %arg10: memref<128x64xf32, #tpu.memory_space<vmem>>, %arg11: memref<!tpu.dma_semaphore, #tpu.memory_space<semaphore_mem>>, %arg12: memref<!tpu.dma_semaphore, #tpu.memory_space<semaphore_mem>>, %arg13: memref<!tpu.dma_semaphore, #tpu.memory_space<semaphore_mem>>) attributes {dimension_semantics = [#tpu.dimension_semantics<core_parallel>, #tpu.dimension_semantics<subcore_parallel>], iteration_bounds = array<i64: 2, 16>, scalar_prefetch = 0 : i64, scratch_operands = 8 : i64, tpu.core_type = #tpu.core_type<sc_vector_subcore>, window_params = [{transform_indices = #map}, {transform_indices = #map}, {transform_indices = #map1}, {transform_indices = #map1}]} {
    %mul3A = arith.constant 2 : i32
    %mul3A_0 = arith.muli %arg1, %mul3A : i32
    %add3A = arith.addi %mul3A_0, %arg0 : i32
    "tpu.region"() ({
      %run_scoped3A = tpu.sem_alloc : memref<!tpu.dma_semaphore, #tpu.memory_space<semaphore_mem>>
      %dma_start3A_186 = arith.constant 0 : i32
      %dma_start3A_187 = arith.constant 0 : i32
      %dma_start3A_188 = tpu.memref_slice %arg4[%add3A, %dma_start3A_186, %dma_start3A_187] : memref<32x3x128xi32, #tpu.memory_space<hbm>> -> memref<1x3x128xi32, #tpu.memory_space<hbm>>
      %dma_start3A_189 = tpu.memref_squeeze %dma_start3A_188 : memref<1x3x128xi32, #tpu.memory_space<hbm>> -> memref<3x128xi32, #tpu.memory_space<hbm>>
      %dma_start3A_190 = arith.constant 0 : i32
      %dma_start3A_191 = arith.constant 0 : i32
      %dma_start3A_192 = tpu.memref_slice %arg4[%add3A, %dma_start3A_190, %dma_start3A_191] : memref<32x3x128xi32, #tpu.memory_space<hbm>> -> memref<1x3x128xi32, #tpu.memory_space<hbm>>
      %dma_start3A_193 = tpu.memref_squeeze %dma_start3A_192 : memref<1x3x128xi32, #tpu.memory_space<hbm>> -> memref<3x128xi32, #tpu.memory_space<hbm>>
      tpu.enqueue_dma source(%dma_start3A_193 : memref<3x128xi32, #tpu.memory_space<hbm>>) target(%arg6 : memref<3x128xi32, #tpu.memory_space<vmem>>) target_semaphore(%run_scoped3A : memref<!tpu.dma_semaphore, #tpu.memory_space<semaphore_mem>>)
      %dma_wait3A_194 = arith.constant 0 : i32
      %dma_wait3A_195 = arith.constant 0 : i32
      %dma_wait3A_196 = tpu.memref_slice %arg4[%add3A, %dma_wait3A_194, %dma_wait3A_195] : memref<32x3x128xi32, #tpu.memory_space<hbm>> -> memref<1x3x128xi32, #tpu.memory_space<hbm>>
      %dma_wait3A_197 = tpu.memref_squeeze %dma_wait3A_196 : memref<1x3x128xi32, #tpu.memory_space<hbm>> -> memref<3x128xi32, #tpu.memory_space<hbm>>
      %dma_wait3A_198 = arith.constant 0 : i32
      %dma_wait3A_199 = arith.constant 0 : i32
      %dma_wait3A_200 = tpu.memref_slice %arg4[%add3A, %dma_wait3A_198, %dma_wait3A_199] : memref<32x3x128xi32, #tpu.memory_space<hbm>> -> memref<1x3x128xi32, #tpu.memory_space<hbm>>
      %dma_wait3A_201 = tpu.memref_squeeze %dma_wait3A_200 : memref<1x3x128xi32, #tpu.memory_space<hbm>> -> memref<3x128xi32, #tpu.memory_space<hbm>>
      tpu.wait_dma2 semaphore(%run_scoped3A : memref<!tpu.dma_semaphore, #tpu.memory_space<semaphore_mem>>) src(%dma_wait3A_201 : memref<3x128xi32, #tpu.memory_space<hbm>>) dst(%arg6 : memref<3x128xi32, #tpu.memory_space<vmem>>)
      tpu.yield
    }) : () -> ()
    %dma_start3A = arith.constant 0 : i32
    %dma_start3A_1 = arith.constant 0 : i32
    %dma_start3A_2 = arith.constant 0 : i32
    %dma_start3A_3 = tpu.memref_slice %arg7[%dma_start3A_1, %dma_start3A_2] : memref<128x128xf32, #tpu.memory_space<vmem>> -> memref<64x128xf32, #tpu.memory_space<vmem>>
    %dma_start3A_4 = arith.constant 0 : i32
    %dma_start3A_5 = tpu.memref_slice %arg6[%dma_start3A, %dma_start3A_4] : memref<3x128xi32, #tpu.memory_space<vmem>> -> memref<1x64xi32, #tpu.memory_space<vmem>>
    %dma_start3A_6 = tpu.memref_squeeze %dma_start3A_5 : memref<1x64xi32, #tpu.memory_space<vmem>> -> memref<64xi32, #tpu.memory_space<vmem>>
    %dma_start3A_7 = arith.constant 0 : i32
    %dma_start3A_8 = arith.constant 0 : i32
    %dma_start3A_9 = tpu.memref_slice %arg2[%dma_start3A_7, %dma_start3A_8] : memref<100000x128xf32, #tpu.memory_space<hbm>> -> memref<100000x128xf32, #tpu.memory_space<hbm>>
    tpu.enqueue_indirect_dma source(%dma_start3A_9 : memref<100000x128xf32, #tpu.memory_space<hbm>>) target(%dma_start3A_3 : memref<64x128xf32, #tpu.memory_space<vmem>>) offsets(%dma_start3A_6 : memref<64xi32, #tpu.memory_space<vmem>>) semaphore(%arg11 : memref<!tpu.dma_semaphore, #tpu.memory_space<semaphore_mem>>)
    %dma_start3A_10 = arith.constant 1 : i32
    %dma_start3A_11 = arith.constant 0 : i32
    %dma_start3A_12 = arith.constant 0 : i32
    %dma_start3A_13 = tpu.memref_slice %arg8[%dma_start3A_11, %dma_start3A_12] : memref<128x128xf32, #tpu.memory_space<vmem>> -> memref<64x128xf32, #tpu.memory_space<vmem>>
    %dma_start3A_14 = arith.constant 0 : i32
    %dma_start3A_15 = tpu.memref_slice %arg6[%dma_start3A_10, %dma_start3A_14] : memref<3x128xi32, #tpu.memory_space<vmem>> -> memref<1x64xi32, #tpu.memory_space<vmem>>
    %dma_start3A_16 = tpu.memref_squeeze %dma_start3A_15 : memref<1x64xi32, #tpu.memory_space<vmem>> -> memref<64xi32, #tpu.memory_space<vmem>>
    %dma_start3A_17 = arith.constant 0 : i32
    %dma_start3A_18 = arith.constant 0 : i32
    %dma_start3A_19 = tpu.memref_slice %arg2[%dma_start3A_17, %dma_start3A_18] : memref<100000x128xf32, #tpu.memory_space<hbm>> -> memref<100000x128xf32, #tpu.memory_space<hbm>>
    tpu.enqueue_indirect_dma source(%dma_start3A_19 : memref<100000x128xf32, #tpu.memory_space<hbm>>) target(%dma_start3A_13 : memref<64x128xf32, #tpu.memory_space<vmem>>) offsets(%dma_start3A_16 : memref<64xi32, #tpu.memory_space<vmem>>) semaphore(%arg11 : memref<!tpu.dma_semaphore, #tpu.memory_space<semaphore_mem>>)
    %dma_start3A_20 = arith.constant 2 : i32
    %dma_start3A_21 = arith.constant 0 : i32
    %dma_start3A_22 = arith.constant 0 : i32
    %dma_start3A_23 = tpu.memref_slice %arg9[%dma_start3A_21, %dma_start3A_22] : memref<128x128xf32, #tpu.memory_space<vmem>> -> memref<64x128xf32, #tpu.memory_space<vmem>>
    %dma_start3A_24 = arith.constant 0 : i32
    %dma_start3A_25 = tpu.memref_slice %arg6[%dma_start3A_20, %dma_start3A_24] : memref<3x128xi32, #tpu.memory_space<vmem>> -> memref<1x64xi32, #tpu.memory_space<vmem>>
    %dma_start3A_26 = tpu.memref_squeeze %dma_start3A_25 : memref<1x64xi32, #tpu.memory_space<vmem>> -> memref<64xi32, #tpu.memory_space<vmem>>
    %dma_start3A_27 = arith.constant 0 : i32
    %dma_start3A_28 = arith.constant 0 : i32
    %dma_start3A_29 = tpu.memref_slice %arg3[%dma_start3A_27, %dma_start3A_28] : memref<1000x128xf32, #tpu.memory_space<hbm>> -> memref<1000x128xf32, #tpu.memory_space<hbm>>
    tpu.enqueue_indirect_dma source(%dma_start3A_29 : memref<1000x128xf32, #tpu.memory_space<hbm>>) target(%dma_start3A_23 : memref<64x128xf32, #tpu.memory_space<vmem>>) offsets(%dma_start3A_26 : memref<64xi32, #tpu.memory_space<vmem>>) semaphore(%arg11 : memref<!tpu.dma_semaphore, #tpu.memory_space<semaphore_mem>>)
    %dma_start3A_30 = arith.constant 0 : i32
    %dma_start3A_31 = arith.constant 64 : i32
    %dma_start3A_32 = arith.constant 0 : i32
    %dma_start3A_33 = tpu.memref_slice %arg7[%dma_start3A_31, %dma_start3A_32] : memref<128x128xf32, #tpu.memory_space<vmem>> -> memref<64x128xf32, #tpu.memory_space<vmem>>
    %dma_start3A_34 = arith.constant 64 : i32
    %dma_start3A_35 = tpu.memref_slice %arg6[%dma_start3A_30, %dma_start3A_34] : memref<3x128xi32, #tpu.memory_space<vmem>> -> memref<1x64xi32, #tpu.memory_space<vmem>>
    %dma_start3A_36 = tpu.memref_squeeze %dma_start3A_35 : memref<1x64xi32, #tpu.memory_space<vmem>> -> memref<64xi32, #tpu.memory_space<vmem>>
    %dma_start3A_37 = arith.constant 0 : i32
    %dma_start3A_38 = arith.constant 0 : i32
    %dma_start3A_39 = tpu.memref_slice %arg2[%dma_start3A_37, %dma_start3A_38] : memref<100000x128xf32, #tpu.memory_space<hbm>> -> memref<100000x128xf32, #tpu.memory_space<hbm>>
    tpu.enqueue_indirect_dma source(%dma_start3A_39 : memref<100000x128xf32, #tpu.memory_space<hbm>>) target(%dma_start3A_33 : memref<64x128xf32, #tpu.memory_space<vmem>>) offsets(%dma_start3A_36 : memref<64xi32, #tpu.memory_space<vmem>>) semaphore(%arg12 : memref<!tpu.dma_semaphore, #tpu.memory_space<semaphore_mem>>)
    %dma_start3A_40 = arith.constant 1 : i32
    %dma_start3A_41 = arith.constant 64 : i32
    %dma_start3A_42 = arith.constant 0 : i32
    %dma_start3A_43 = tpu.memref_slice %arg8[%dma_start3A_41, %dma_start3A_42] : memref<128x128xf32, #tpu.memory_space<vmem>> -> memref<64x128xf32, #tpu.memory_space<vmem>>
    %dma_start3A_44 = arith.constant 64 : i32
    %dma_start3A_45 = tpu.memref_slice %arg6[%dma_start3A_40, %dma_start3A_44] : memref<3x128xi32, #tpu.memory_space<vmem>> -> memref<1x64xi32, #tpu.memory_space<vmem>>
    %dma_start3A_46 = tpu.memref_squeeze %dma_start3A_45 : memref<1x64xi32, #tpu.memory_space<vmem>> -> memref<64xi32, #tpu.memory_space<vmem>>
    %dma_start3A_47 = arith.constant 0 : i32
    %dma_start3A_48 = arith.constant 0 : i32
    %dma_start3A_49 = tpu.memref_slice %arg2[%dma_start3A_47, %dma_start3A_48] : memref<100000x128xf32, #tpu.memory_space<hbm>> -> memref<100000x128xf32, #tpu.memory_space<hbm>>
    tpu.enqueue_indirect_dma source(%dma_start3A_49 : memref<100000x128xf32, #tpu.memory_space<hbm>>) target(%dma_start3A_43 : memref<64x128xf32, #tpu.memory_space<vmem>>) offsets(%dma_start3A_46 : memref<64xi32, #tpu.memory_space<vmem>>) semaphore(%arg12 : memref<!tpu.dma_semaphore, #tpu.memory_space<semaphore_mem>>)
    %dma_start3A_50 = arith.constant 2 : i32
    %dma_start3A_51 = arith.constant 64 : i32
    %dma_start3A_52 = arith.constant 0 : i32
    %dma_start3A_53 = tpu.memref_slice %arg9[%dma_start3A_51, %dma_start3A_52] : memref<128x128xf32, #tpu.memory_space<vmem>> -> memref<64x128xf32, #tpu.memory_space<vmem>>
    %dma_start3A_54 = arith.constant 64 : i32
    %dma_start3A_55 = tpu.memref_slice %arg6[%dma_start3A_50, %dma_start3A_54] : memref<3x128xi32, #tpu.memory_space<vmem>> -> memref<1x64xi32, #tpu.memory_space<vmem>>
    %dma_start3A_56 = tpu.memref_squeeze %dma_start3A_55 : memref<1x64xi32, #tpu.memory_space<vmem>> -> memref<64xi32, #tpu.memory_space<vmem>>
    %dma_start3A_57 = arith.constant 0 : i32
    %dma_start3A_58 = arith.constant 0 : i32
    %dma_start3A_59 = tpu.memref_slice %arg3[%dma_start3A_57, %dma_start3A_58] : memref<1000x128xf32, #tpu.memory_space<hbm>> -> memref<1000x128xf32, #tpu.memory_space<hbm>>
    tpu.enqueue_indirect_dma source(%dma_start3A_59 : memref<1000x128xf32, #tpu.memory_space<hbm>>) target(%dma_start3A_53 : memref<64x128xf32, #tpu.memory_space<vmem>>) offsets(%dma_start3A_56 : memref<64xi32, #tpu.memory_space<vmem>>) semaphore(%arg12 : memref<!tpu.dma_semaphore, #tpu.memory_space<semaphore_mem>>)
    %dma_wait3A = arith.constant 0 : i32
    %dma_wait3A_60 = arith.constant 0 : i32
    %dma_wait3A_61 = arith.constant 0 : i32
    %dma_wait3A_62 = tpu.memref_slice %arg7[%dma_wait3A_60, %dma_wait3A_61] : memref<128x128xf32, #tpu.memory_space<vmem>> -> memref<64x128xf32, #tpu.memory_space<vmem>>
    %dma_wait3A_63 = arith.constant 0 : i32
    %dma_wait3A_64 = tpu.memref_slice %arg6[%dma_wait3A, %dma_wait3A_63] : memref<3x128xi32, #tpu.memory_space<vmem>> -> memref<1x64xi32, #tpu.memory_space<vmem>>
    %dma_wait3A_65 = tpu.memref_squeeze %dma_wait3A_64 : memref<1x64xi32, #tpu.memory_space<vmem>> -> memref<64xi32, #tpu.memory_space<vmem>>
    %dma_wait3A_66 = arith.constant 0 : i32
    %dma_wait3A_67 = arith.constant 0 : i32
    %dma_wait3A_68 = tpu.memref_slice %arg2[%dma_wait3A_66, %dma_wait3A_67] : memref<100000x128xf32, #tpu.memory_space<hbm>> -> memref<100000x128xf32, #tpu.memory_space<hbm>>
    tpu.wait_indirect_dma semaphore(%arg11 : memref<!tpu.dma_semaphore, #tpu.memory_space<semaphore_mem>>) src(%dma_wait3A_68 : memref<100000x128xf32, #tpu.memory_space<hbm>>) dst(%dma_wait3A_62 : memref<64x128xf32, #tpu.memory_space<vmem>>)
    %dma_wait3A_69 = arith.constant 1 : i32
    %dma_wait3A_70 = arith.constant 0 : i32
    %dma_wait3A_71 = arith.constant 0 : i32
    %dma_wait3A_72 = tpu.memref_slice %arg8[%dma_wait3A_70, %dma_wait3A_71] : memref<128x128xf32, #tpu.memory_space<vmem>> -> memref<64x128xf32, #tpu.memory_space<vmem>>
    %dma_wait3A_73 = arith.constant 0 : i32
    %dma_wait3A_74 = tpu.memref_slice %arg6[%dma_wait3A_69, %dma_wait3A_73] : memref<3x128xi32, #tpu.memory_space<vmem>> -> memref<1x64xi32, #tpu.memory_space<vmem>>
    %dma_wait3A_75 = tpu.memref_squeeze %dma_wait3A_74 : memref<1x64xi32, #tpu.memory_space<vmem>> -> memref<64xi32, #tpu.memory_space<vmem>>
    %dma_wait3A_76 = arith.constant 0 : i32
    %dma_wait3A_77 = arith.constant 0 : i32
    %dma_wait3A_78 = tpu.memref_slice %arg2[%dma_wait3A_76, %dma_wait3A_77] : memref<100000x128xf32, #tpu.memory_space<hbm>> -> memref<100000x128xf32, #tpu.memory_space<hbm>>
    tpu.wait_indirect_dma semaphore(%arg11 : memref<!tpu.dma_semaphore, #tpu.memory_space<semaphore_mem>>) src(%dma_wait3A_78 : memref<100000x128xf32, #tpu.memory_space<hbm>>) dst(%dma_wait3A_72 : memref<64x128xf32, #tpu.memory_space<vmem>>)
    %dma_wait3A_79 = arith.constant 2 : i32
    %dma_wait3A_80 = arith.constant 0 : i32
    %dma_wait3A_81 = arith.constant 0 : i32
    %dma_wait3A_82 = tpu.memref_slice %arg9[%dma_wait3A_80, %dma_wait3A_81] : memref<128x128xf32, #tpu.memory_space<vmem>> -> memref<64x128xf32, #tpu.memory_space<vmem>>
    %dma_wait3A_83 = arith.constant 0 : i32
    %dma_wait3A_84 = tpu.memref_slice %arg6[%dma_wait3A_79, %dma_wait3A_83] : memref<3x128xi32, #tpu.memory_space<vmem>> -> memref<1x64xi32, #tpu.memory_space<vmem>>
    %dma_wait3A_85 = tpu.memref_squeeze %dma_wait3A_84 : memref<1x64xi32, #tpu.memory_space<vmem>> -> memref<64xi32, #tpu.memory_space<vmem>>
    %dma_wait3A_86 = arith.constant 0 : i32
    %dma_wait3A_87 = arith.constant 0 : i32
    %dma_wait3A_88 = tpu.memref_slice %arg3[%dma_wait3A_86, %dma_wait3A_87] : memref<1000x128xf32, #tpu.memory_space<hbm>> -> memref<1000x128xf32, #tpu.memory_space<hbm>>
    tpu.wait_indirect_dma semaphore(%arg11 : memref<!tpu.dma_semaphore, #tpu.memory_space<semaphore_mem>>) src(%dma_wait3A_88 : memref<1000x128xf32, #tpu.memory_space<hbm>>) dst(%dma_wait3A_82 : memref<64x128xf32, #tpu.memory_space<vmem>>)
    %scan3A = arith.constant 0 : i32
    %scan3A_89 = arith.constant 0 : i32
    %scan3A_90 = arith.constant 64 : i32
    %scan3A_91 = arith.addi %scan3A_89, %scan3A_90 : i32
    %scan3A_92 = arith.constant 1 : i32
    scf.for %scan3A_186 = %scan3A_89 to %scan3A_91 step %scan3A_92  : i32 {
      %get3A = arith.index_cast %scan3A_186 : i32 to index
      %get3A_187 = arith.constant 0 : index
      %get3A_188 = tpu.vector_load %arg7[%get3A, %get3A_187] {strides = array<i32>} : memref<128x128xf32, #tpu.memory_space<vmem>>, vector<1x16xf32>,
      %get3A_189 = vector.shape_cast %get3A_188 : vector<1x16xf32> to vector<16xf32>
      %get3A_190 = arith.index_cast %scan3A_186 : i32 to index
      %get3A_191 = arith.constant 64 : index
      %get3A_192 = tpu.vector_load %arg7[%get3A_190, %get3A_191] {strides = array<i32>} : memref<128x128xf32, #tpu.memory_space<vmem>>, vector<1x16xf32>,
      %get3A_193 = vector.shape_cast %get3A_192 : vector<1x16xf32> to vector<16xf32>
      %get3A_194 = arith.index_cast %scan3A_186 : i32 to index
      %get3A_195 = arith.constant 0 : index
      %get3A_196 = tpu.vector_load %arg8[%get3A_194, %get3A_195] {strides = array<i32>} : memref<128x128xf32, #tpu.memory_space<vmem>>, vector<1x16xf32>,
      %get3A_197 = vector.shape_cast %get3A_196 : vector<1x16xf32> to vector<16xf32>
      %get3A_198 = arith.index_cast %scan3A_186 : i32 to index
      %get3A_199 = arith.constant 64 : index
      %get3A_200 = tpu.vector_load %arg8[%get3A_198, %get3A_199] {strides = array<i32>} : memref<128x128xf32, #tpu.memory_space<vmem>>, vector<1x16xf32>,
      %get3A_201 = vector.shape_cast %get3A_200 : vector<1x16xf32> to vector<16xf32>
      %get3A_202 = arith.index_cast %scan3A_186 : i32 to index
      %get3A_203 = arith.constant 64 : index
      %get3A_204 = tpu.vector_load %arg9[%get3A_202, %get3A_203] {strides = array<i32>} : memref<128x128xf32, #tpu.memory_space<vmem>>, vector<1x16xf32>,
      %get3A_205 = vector.shape_cast %get3A_204 : vector<1x16xf32> to vector<16xf32>
      %mul3A_206 = arith.mulf %get3A_205, %get3A_205 : vector<16xf32>
      %mul3A_207 = arith.constant 2.48015876E-5 : f32
      %mul3A_208 = vector.broadcast %mul3A_207 : f32 to vector<16xf32>
      %mul3A_209 = arith.mulf %mul3A_206, %mul3A_208 : vector<16xf32>
      %add3A_210 = arith.constant -0.00138888892 : f32
      %add3A_211 = vector.broadcast %add3A_210 : f32 to vector<16xf32>
      %add3A_212 = arith.addf %add3A_211, %mul3A_209 : vector<16xf32>
      %mul3A_213 = arith.mulf %mul3A_206, %add3A_212 : vector<16xf32>
      %add3A_214 = arith.constant 0.0416666679 : f32
      %add3A_215 = vector.broadcast %add3A_214 : f32 to vector<16xf32>
      %add3A_216 = arith.addf %add3A_215, %mul3A_213 : vector<16xf32>
      %mul3A_217 = arith.mulf %mul3A_206, %add3A_216 : vector<16xf32>
      %add3A_218 = arith.constant -5.000000e-01 : f32
      %add3A_219 = vector.broadcast %add3A_218 : f32 to vector<16xf32>
      %add3A_220 = arith.addf %add3A_219, %mul3A_217 : vector<16xf32>
      %mul3A_221 = arith.mulf %mul3A_206, %add3A_220 : vector<16xf32>
      %add3A_222 = arith.constant 1.000000e+00 : f32
      %add3A_223 = vector.broadcast %add3A_222 : f32 to vector<16xf32>
      %add3A_224 = arith.addf %add3A_223, %mul3A_221 : vector<16xf32>
      %mul3A_225 = arith.constant -1.98412701E-4 : f32
      %mul3A_226 = vector.broadcast %mul3A_225 : f32 to vector<16xf32>
      %mul3A_227 = arith.mulf %mul3A_206, %mul3A_226 : vector<16xf32>
      %add3A_228 = arith.constant 0.00833333377 : f32
      %add3A_229 = vector.broadcast %add3A_228 : f32 to vector<16xf32>
      %add3A_230 = arith.addf %add3A_229, %mul3A_227 : vector<16xf32>
      %mul3A_231 = arith.mulf %mul3A_206, %add3A_230 : vector<16xf32>
      %add3A_232 = arith.constant -0.166666672 : f32
      %add3A_233 = vector.broadcast %add3A_232 : f32 to vector<16xf32>
      %add3A_234 = arith.addf %add3A_233, %mul3A_231 : vector<16xf32>
      %mul3A_235 = arith.mulf %mul3A_206, %add3A_234 : vector<16xf32>
      %add3A_236 = arith.constant 1.000000e+00 : f32
      %add3A_237 = vector.broadcast %add3A_236 : f32 to vector<16xf32>
      %add3A_238 = arith.addf %add3A_237, %mul3A_235 : vector<16xf32>
      %mul3A_239 = arith.mulf %get3A_205, %add3A_238 : vector<16xf32>
      %mul3A_240 = arith.mulf %get3A_189, %add3A_224 : vector<16xf32>
      %mul3A_241 = arith.mulf %get3A_193, %mul3A_239 : vector<16xf32>
      %sub3A = arith.subf %mul3A_240, %mul3A_241 : vector<16xf32>
      %sub3A_242 = arith.subf %sub3A, %get3A_197 : vector<16xf32>
      %mul3A_243 = arith.mulf %get3A_189, %mul3A_239 : vector<16xf32>
      %mul3A_244 = arith.mulf %get3A_193, %add3A_224 : vector<16xf32>
      %add3A_245 = arith.addf %mul3A_243, %mul3A_244 : vector<16xf32>
      %sub3A_246 = arith.subf %add3A_245, %get3A_201 : vector<16xf32>
      %mul3A_247 = arith.mulf %sub3A_242, %sub3A_242 : vector<16xf32>
      %mul3A_248 = arith.mulf %sub3A_246, %sub3A_246 : vector<16xf32>
      %add3A_249 = arith.addf %mul3A_247, %mul3A_248 : vector<16xf32>
      %swap3A = arith.index_cast %scan3A_186 : i32 to index
      %swap3A_250 = arith.constant 0 : index
      %swap3A_251 = tpu.vector_load %arg10[%swap3A, %swap3A_250] {strides = array<i32>} : memref<128x64xf32, #tpu.memory_space<vmem>>, vector<1x16xf32>,
      %swap3A_252 = vector.shape_cast %swap3A_251 : vector<1x16xf32> to vector<16xf32>
      %swap3A_253 = vector.shape_cast %add3A_249 : vector<16xf32> to vector<1x16xf32>
      tpu.vector_store %arg10[%swap3A, %swap3A_250], %swap3A_253 {strides = array<i32>} : memref<128x64xf32, #tpu.memory_space<vmem>>, vector<1x16xf32>,
      %get3A_254 = arith.index_cast %scan3A_186 : i32 to index
      %get3A_255 = arith.constant 16 : index
      %get3A_256 = tpu.vector_load %arg7[%get3A_254, %get3A_255] {strides = array<i32>} : memref<128x128xf32, #tpu.memory_space<vmem>>, vector<1x16xf32>,
      %get3A_257 = vector.shape_cast %get3A_256 : vector<1x16xf32> to vector<16xf32>
      %get3A_258 = arith.index_cast %scan3A_186 : i32 to index
      %get3A_259 = arith.constant 80 : index
      %get3A_260 = tpu.vector_load %arg7[%get3A_258, %get3A_259] {strides = array<i32>} : memref<128x128xf32, #tpu.memory_space<vmem>>, vector<1x16xf32>,
      %get3A_261 = vector.shape_cast %get3A_260 : vector<1x16xf32> to vector<16xf32>
      %get3A_262 = arith.index_cast %scan3A_186 : i32 to index
      %get3A_263 = arith.constant 16 : index
      %get3A_264 = tpu.vector_load %arg8[%get3A_262, %get3A_263] {strides = array<i32>} : memref<128x128xf32, #tpu.memory_space<vmem>>, vector<1x16xf32>,
      %get3A_265 = vector.shape_cast %get3A_264 : vector<1x16xf32> to vector<16xf32>
      %get3A_266 = arith.index_cast %scan3A_186 : i32 to index
      %get3A_267 = arith.constant 80 : index
      %get3A_268 = tpu.vector_load %arg8[%get3A_266, %get3A_267] {strides = array<i32>} : memref<128x128xf32, #tpu.memory_space<vmem>>, vector<1x16xf32>,
      %get3A_269 = vector.shape_cast %get3A_268 : vector<1x16xf32> to vector<16xf32>
      %get3A_270 = arith.index_cast %scan3A_186 : i32 to index
      %get3A_271 = arith.constant 80 : index
      %get3A_272 = tpu.vector_load %arg9[%get3A_270, %get3A_271] {strides = array<i32>} : memref<128x128xf32, #tpu.memory_space<vmem>>, vector<1x16xf32>,
      %get3A_273 = vector.shape_cast %get3A_272 : vector<1x16xf32> to vector<16xf32>
      %mul3A_274 = arith.mulf %get3A_273, %get3A_273 : vector<16xf32>
      %mul3A_275 = arith.constant 2.48015876E-5 : f32
      %mul3A_276 = vector.broadcast %mul3A_275 : f32 to vector<16xf32>
      %mul3A_277 = arith.mulf %mul3A_274, %mul3A_276 : vector<16xf32>
      %add3A_278 = arith.constant -0.00138888892 : f32
      %add3A_279 = vector.broadcast %add3A_278 : f32 to vector<16xf32>
      %add3A_280 = arith.addf %add3A_279, %mul3A_277 : vector<16xf32>
      %mul3A_281 = arith.mulf %mul3A_274, %add3A_280 : vector<16xf32>
      %add3A_282 = arith.constant 0.0416666679 : f32
      %add3A_283 = vector.broadcast %add3A_282 : f32 to vector<16xf32>
      %add3A_284 = arith.addf %add3A_283, %mul3A_281 : vector<16xf32>
      %mul3A_285 = arith.mulf %mul3A_274, %add3A_284 : vector<16xf32>
      %add3A_286 = arith.constant -5.000000e-01 : f32
      %add3A_287 = vector.broadcast %add3A_286 : f32 to vector<16xf32>
      %add3A_288 = arith.addf %add3A_287, %mul3A_285 : vector<16xf32>
      %mul3A_289 = arith.mulf %mul3A_274, %add3A_288 : vector<16xf32>
      %add3A_290 = arith.constant 1.000000e+00 : f32
      %add3A_291 = vector.broadcast %add3A_290 : f32 to vector<16xf32>
      %add3A_292 = arith.addf %add3A_291, %mul3A_289 : vector<16xf32>
      %mul3A_293 = arith.constant -1.98412701E-4 : f32
      %mul3A_294 = vector.broadcast %mul3A_293 : f32 to vector<16xf32>
      %mul3A_295 = arith.mulf %mul3A_274, %mul3A_294 : vector<16xf32>
      %add3A_296 = arith.constant 0.00833333377 : f32
      %add3A_297 = vector.broadcast %add3A_296 : f32 to vector<16xf32>
      %add3A_298 = arith.addf %add3A_297, %mul3A_295 : vector<16xf32>
      %mul3A_299 = arith.mulf %mul3A_274, %add3A_298 : vector<16xf32>
      %add3A_300 = arith.constant -0.166666672 : f32
      %add3A_301 = vector.broadcast %add3A_300 : f32 to vector<16xf32>
      %add3A_302 = arith.addf %add3A_301, %mul3A_299 : vector<16xf32>
      %mul3A_303 = arith.mulf %mul3A_274, %add3A_302 : vector<16xf32>
      %add3A_304 = arith.constant 1.000000e+00 : f32
      %add3A_305 = vector.broadcast %add3A_304 : f32 to vector<16xf32>
      %add3A_306 = arith.addf %add3A_305, %mul3A_303 : vector<16xf32>
      %mul3A_307 = arith.mulf %get3A_273, %add3A_306 : vector<16xf32>
      %mul3A_308 = arith.mulf %get3A_257, %add3A_292 : vector<16xf32>
      %mul3A_309 = arith.mulf %get3A_261, %mul3A_307 : vector<16xf32>
      %sub3A_310 = arith.subf %mul3A_308, %mul3A_309 : vector<16xf32>
      %sub3A_311 = arith.subf %sub3A_310, %get3A_265 : vector<16xf32>
      %mul3A_312 = arith.mulf %get3A_257, %mul3A_307 : vector<16xf32>
      %mul3A_313 = arith.mulf %get3A_261, %add3A_292 : vector<16xf32>
      %add3A_314 = arith.addf %mul3A_312, %mul3A_313 : vector<16xf32>
      %sub3A_315 = arith.subf %add3A_314, %get3A_269 : vector<16xf32>
      %mul3A_316 = arith.mulf %sub3A_311, %sub3A_311 : vector<16xf32>
      %mul3A_317 = arith.mulf %sub3A_315, %sub3A_315 : vector<16xf32>
      %add3A_318 = arith.addf %mul3A_316, %mul3A_317 : vector<16xf32>
      %swap3A_319 = arith.index_cast %scan3A_186 : i32 to index
      %swap3A_320 = arith.constant 16 : index
      %swap3A_321 = tpu.vector_load %arg10[%swap3A_319, %swap3A_320] {strides = array<i32>} : memref<128x64xf32, #tpu.memory_space<vmem>>, vector<1x16xf32>,
      %swap3A_322 = vector.shape_cast %swap3A_321 : vector<1x16xf32> to vector<16xf32>
      %swap3A_323 = vector.shape_cast %add3A_318 : vector<16xf32> to vector<1x16xf32>
      tpu.vector_store %arg10[%swap3A_319, %swap3A_320], %swap3A_323 {strides = array<i32>} : memref<128x64xf32, #tpu.memory_space<vmem>>, vector<1x16xf32>,
      %get3A_324 = arith.index_cast %scan3A_186 : i32 to index
      %get3A_325 = arith.constant 32 : index
      %get3A_326 = tpu.vector_load %arg7[%get3A_324, %get3A_325] {strides = array<i32>} : memref<128x128xf32, #tpu.memory_space<vmem>>, vector<1x16xf32>,
      %get3A_327 = vector.shape_cast %get3A_326 : vector<1x16xf32> to vector<16xf32>
      %get3A_328 = arith.index_cast %scan3A_186 : i32 to index
      %get3A_329 = arith.constant 96 : index
      %get3A_330 = tpu.vector_load %arg7[%get3A_328, %get3A_329] {strides = array<i32>} : memref<128x128xf32, #tpu.memory_space<vmem>>, vector<1x16xf32>,
      %get3A_331 = vector.shape_cast %get3A_330 : vector<1x16xf32> to vector<16xf32>
      %get3A_332 = arith.index_cast %scan3A_186 : i32 to index
      %get3A_333 = arith.constant 32 : index
      %get3A_334 = tpu.vector_load %arg8[%get3A_332, %get3A_333] {strides = array<i32>} : memref<128x128xf32, #tpu.memory_space<vmem>>, vector<1x16xf32>,
      %get3A_335 = vector.shape_cast %get3A_334 : vector<1x16xf32> to vector<16xf32>
      %get3A_336 = arith.index_cast %scan3A_186 : i32 to index
      %get3A_337 = arith.constant 96 : index
      %get3A_338 = tpu.vector_load %arg8[%get3A_336, %get3A_337] {strides = array<i32>} : memref<128x128xf32, #tpu.memory_space<vmem>>, vector<1x16xf32>,
      %get3A_339 = vector.shape_cast %get3A_338 : vector<1x16xf32> to vector<16xf32>
      %get3A_340 = arith.index_cast %scan3A_186 : i32 to index
      %get3A_341 = arith.constant 96 : index
      %get3A_342 = tpu.vector_load %arg9[%get3A_340, %get3A_341] {strides = array<i32>} : memref<128x128xf32, #tpu.memory_space<vmem>>, vector<1x16xf32>,
      %get3A_343 = vector.shape_cast %get3A_342 : vector<1x16xf32> to vector<16xf32>
      %mul3A_344 = arith.mulf %get3A_343, %get3A_343 : vector<16xf32>
      %mul3A_345 = arith.constant 2.48015876E-5 : f32
      %mul3A_346 = vector.broadcast %mul3A_345 : f32 to vector<16xf32>
      %mul3A_347 = arith.mulf %mul3A_344, %mul3A_346 : vector<16xf32>
      %add3A_348 = arith.constant -0.00138888892 : f32
      %add3A_349 = vector.broadcast %add3A_348 : f32 to vector<16xf32>
      %add3A_350 = arith.addf %add3A_349, %mul3A_347 : vector<16xf32>
      %mul3A_351 = arith.mulf %mul3A_344, %add3A_350 : vector<16xf32>
      %add3A_352 = arith.constant 0.0416666679 : f32
      %add3A_353 = vector.broadcast %add3A_352 : f32 to vector<16xf32>
      %add3A_354 = arith.addf %add3A_353, %mul3A_351 : vector<16xf32>
      %mul3A_355 = arith.mulf %mul3A_344, %add3A_354 : vector<16xf32>
      %add3A_356 = arith.constant -5.000000e-01 : f32
      %add3A_357 = vector.broadcast %add3A_356 : f32 to vector<16xf32>
      %add3A_358 = arith.addf %add3A_357, %mul3A_355 : vector<16xf32>
      %mul3A_359 = arith.mulf %mul3A_344, %add3A_358 : vector<16xf32>
      %add3A_360 = arith.constant 1.000000e+00 : f32
      %add3A_361 = vector.broadcast %add3A_360 : f32 to vector<16xf32>
      %add3A_362 = arith.addf %add3A_361, %mul3A_359 : vector<16xf32>
      %mul3A_363 = arith.constant -1.98412701E-4 : f32
      %mul3A_364 = vector.broadcast %mul3A_363 : f32 to vector<16xf32>
      %mul3A_365 = arith.mulf %mul3A_344, %mul3A_364 : vector<16xf32>
      %add3A_366 = arith.constant 0.00833333377 : f32
      %add3A_367 = vector.broadcast %add3A_366 : f32 to vector<16xf32>
      %add3A_368 = arith.addf %add3A_367, %mul3A_365 : vector<16xf32>
      %mul3A_369 = arith.mulf %mul3A_344, %add3A_368 : vector<16xf32>
      %add3A_370 = arith.constant -0.166666672 : f32
      %add3A_371 = vector.broadcast %add3A_370 : f32 to vector<16xf32>
      %add3A_372 = arith.addf %add3A_371, %mul3A_369 : vector<16xf32>
      %mul3A_373 = arith.mulf %mul3A_344, %add3A_372 : vector<16xf32>
      %add3A_374 = arith.constant 1.000000e+00 : f32
      %add3A_375 = vector.broadcast %add3A_374 : f32 to vector<16xf32>
      %add3A_376 = arith.addf %add3A_375, %mul3A_373 : vector<16xf32>
      %mul3A_377 = arith.mulf %get3A_343, %add3A_376 : vector<16xf32>
      %mul3A_378 = arith.mulf %get3A_327, %add3A_362 : vector<16xf32>
      %mul3A_379 = arith.mulf %get3A_331, %mul3A_377 : vector<16xf32>
      %sub3A_380 = arith.subf %mul3A_378, %mul3A_379 : vector<16xf32>
      %sub3A_381 = arith.subf %sub3A_380, %get3A_335 : vector<16xf32>
      %mul3A_382 = arith.mulf %get3A_327, %mul3A_377 : vector<16xf32>
      %mul3A_383 = arith.mulf %get3A_331, %add3A_362 : vector<16xf32>
      %add3A_384 = arith.addf %mul3A_382, %mul3A_383 : vector<16xf32>
      %sub3A_385 = arith.subf %add3A_384, %get3A_339 : vector<16xf32>
      %mul3A_386 = arith.mulf %sub3A_381, %sub3A_381 : vector<16xf32>
      %mul3A_387 = arith.mulf %sub3A_385, %sub3A_385 : vector<16xf32>
      %add3A_388 = arith.addf %mul3A_386, %mul3A_387 : vector<16xf32>
      %swap3A_389 = arith.index_cast %scan3A_186 : i32 to index
      %swap3A_390 = arith.constant 32 : index
      %swap3A_391 = tpu.vector_load %arg10[%swap3A_389, %swap3A_390] {strides = array<i32>} : memref<128x64xf32, #tpu.memory_space<vmem>>, vector<1x16xf32>,
      %swap3A_392 = vector.shape_cast %swap3A_391 : vector<1x16xf32> to vector<16xf32>
      %swap3A_393 = vector.shape_cast %add3A_388 : vector<16xf32> to vector<1x16xf32>
      tpu.vector_store %arg10[%swap3A_389, %swap3A_390], %swap3A_393 {strides = array<i32>} : memref<128x64xf32, #tpu.memory_space<vmem>>, vector<1x16xf32>,
      %get3A_394 = arith.index_cast %scan3A_186 : i32 to index
      %get3A_395 = arith.constant 48 : index
      %get3A_396 = tpu.vector_load %arg7[%get3A_394, %get3A_395] {strides = array<i32>} : memref<128x128xf32, #tpu.memory_space<vmem>>, vector<1x16xf32>,
      %get3A_397 = vector.shape_cast %get3A_396 : vector<1x16xf32> to vector<16xf32>
      %get3A_398 = arith.index_cast %scan3A_186 : i32 to index
      %get3A_399 = arith.constant 112 : index
      %get3A_400 = tpu.vector_load %arg7[%get3A_398, %get3A_399] {strides = array<i32>} : memref<128x128xf32, #tpu.memory_space<vmem>>, vector<1x16xf32>,
      %get3A_401 = vector.shape_cast %get3A_400 : vector<1x16xf32> to vector<16xf32>
      %get3A_402 = arith.index_cast %scan3A_186 : i32 to index
      %get3A_403 = arith.constant 48 : index
      %get3A_404 = tpu.vector_load %arg8[%get3A_402, %get3A_403] {strides = array<i32>} : memref<128x128xf32, #tpu.memory_space<vmem>>, vector<1x16xf32>,
      %get3A_405 = vector.shape_cast %get3A_404 : vector<1x16xf32> to vector<16xf32>
      %get3A_406 = arith.index_cast %scan3A_186 : i32 to index
      %get3A_407 = arith.constant 112 : index
      %get3A_408 = tpu.vector_load %arg8[%get3A_406, %get3A_407] {strides = array<i32>} : memref<128x128xf32, #tpu.memory_space<vmem>>, vector<1x16xf32>,
      %get3A_409 = vector.shape_cast %get3A_408 : vector<1x16xf32> to vector<16xf32>
      %get3A_410 = arith.index_cast %scan3A_186 : i32 to index
      %get3A_411 = arith.constant 112 : index
      %get3A_412 = tpu.vector_load %arg9[%get3A_410, %get3A_411] {strides = array<i32>} : memref<128x128xf32, #tpu.memory_space<vmem>>, vector<1x16xf32>,
      %get3A_413 = vector.shape_cast %get3A_412 : vector<1x16xf32> to vector<16xf32>
      %mul3A_414 = arith.mulf %get3A_413, %get3A_413 : vector<16xf32>
      %mul3A_415 = arith.constant 2.48015876E-5 : f32
      %mul3A_416 = vector.broadcast %mul3A_415 : f32 to vector<16xf32>
      %mul3A_417 = arith.mulf %mul3A_414, %mul3A_416 : vector<16xf32>
      %add3A_418 = arith.constant -0.00138888892 : f32
      %add3A_419 = vector.broadcast %add3A_418 : f32 to vector<16xf32>
      %add3A_420 = arith.addf %add3A_419, %mul3A_417 : vector<16xf32>
      %mul3A_421 = arith.mulf %mul3A_414, %add3A_420 : vector<16xf32>
      %add3A_422 = arith.constant 0.0416666679 : f32
      %add3A_423 = vector.broadcast %add3A_422 : f32 to vector<16xf32>
      %add3A_424 = arith.addf %add3A_423, %mul3A_421 : vector<16xf32>
      %mul3A_425 = arith.mulf %mul3A_414, %add3A_424 : vector<16xf32>
      %add3A_426 = arith.constant -5.000000e-01 : f32
      %add3A_427 = vector.broadcast %add3A_426 : f32 to vector<16xf32>
      %add3A_428 = arith.addf %add3A_427, %mul3A_425 : vector<16xf32>
      %mul3A_429 = arith.mulf %mul3A_414, %add3A_428 : vector<16xf32>
      %add3A_430 = arith.constant 1.000000e+00 : f32
      %add3A_431 = vector.broadcast %add3A_430 : f32 to vector<16xf32>
      %add3A_432 = arith.addf %add3A_431, %mul3A_429 : vector<16xf32>
      %mul3A_433 = arith.constant -1.98412701E-4 : f32
      %mul3A_434 = vector.broadcast %mul3A_433 : f32 to vector<16xf32>
      %mul3A_435 = arith.mulf %mul3A_414, %mul3A_434 : vector<16xf32>
      %add3A_436 = arith.constant 0.00833333377 : f32
      %add3A_437 = vector.broadcast %add3A_436 : f32 to vector<16xf32>
      %add3A_438 = arith.addf %add3A_437, %mul3A_435 : vector<16xf32>
      %mul3A_439 = arith.mulf %mul3A_414, %add3A_438 : vector<16xf32>
      %add3A_440 = arith.constant -0.166666672 : f32
      %add3A_441 = vector.broadcast %add3A_440 : f32 to vector<16xf32>
      %add3A_442 = arith.addf %add3A_441, %mul3A_439 : vector<16xf32>
      %mul3A_443 = arith.mulf %mul3A_414, %add3A_442 : vector<16xf32>
      %add3A_444 = arith.constant 1.000000e+00 : f32
      %add3A_445 = vector.broadcast %add3A_444 : f32 to vector<16xf32>
      %add3A_446 = arith.addf %add3A_445, %mul3A_443 : vector<16xf32>
      %mul3A_447 = arith.mulf %get3A_413, %add3A_446 : vector<16xf32>
      %mul3A_448 = arith.mulf %get3A_397, %add3A_432 : vector<16xf32>
      %mul3A_449 = arith.mulf %get3A_401, %mul3A_447 : vector<16xf32>
      %sub3A_450 = arith.subf %mul3A_448, %mul3A_449 : vector<16xf32>
      %sub3A_451 = arith.subf %sub3A_450, %get3A_405 : vector<16xf32>
      %mul3A_452 = arith.mulf %get3A_397, %mul3A_447 : vector<16xf32>
      %mul3A_453 = arith.mulf %get3A_401, %add3A_432 : vector<16xf32>
      %add3A_454 = arith.addf %mul3A_452, %mul3A_453 : vector<16xf32>
      %sub3A_455 = arith.subf %add3A_454, %get3A_409 : vector<16xf32>
      %mul3A_456 = arith.mulf %sub3A_451, %sub3A_451 : vector<16xf32>
      %mul3A_457 = arith.mulf %sub3A_455, %sub3A_455 : vector<16xf32>
      %add3A_458 = arith.addf %mul3A_456, %mul3A_457 : vector<16xf32>
      %swap3A_459 = arith.index_cast %scan3A_186 : i32 to index
      %swap3A_460 = arith.constant 48 : index
      %swap3A_461 = tpu.vector_load %arg10[%swap3A_459, %swap3A_460] {strides = array<i32>} : memref<128x64xf32, #tpu.memory_space<vmem>>, vector<1x16xf32>,
      %swap3A_462 = vector.shape_cast %swap3A_461 : vector<1x16xf32> to vector<16xf32>
      %swap3A_463 = vector.shape_cast %add3A_458 : vector<16xf32> to vector<1x16xf32>
      tpu.vector_store %arg10[%swap3A_459, %swap3A_460], %swap3A_463 {strides = array<i32>} : memref<128x64xf32, #tpu.memory_space<vmem>>, vector<1x16xf32>,
    }
    %scan3A_93 = arith.constant 64 : i32
    %dma_start3A_94 = arith.constant 0 : i32
    %dma_start3A_95 = arith.constant 0 : i32
    %dma_start3A_96 = tpu.memref_slice %arg10[%dma_start3A_94, %dma_start3A_95] : memref<128x64xf32, #tpu.memory_space<vmem>> -> memref<64x64xf32, #tpu.memory_space<vmem>>
    %dma_start3A_97 = arith.constant 0 : i32
    %dma_start3A_98 = arith.constant 0 : i32
    %dma_start3A_99 = tpu.memref_slice %arg5[%add3A, %dma_start3A_97, %dma_start3A_98] : memref<32x128x64xf32, #tpu.memory_space<hbm>> -> memref<1x64x64xf32, #tpu.memory_space<hbm>>
    %dma_start3A_100 = tpu.memref_squeeze %dma_start3A_99 : memref<1x64x64xf32, #tpu.memory_space<hbm>> -> memref<64x64xf32, #tpu.memory_space<hbm>>
    %dma_start3A_101 = arith.constant 0 : i32
    %dma_start3A_102 = arith.constant 0 : i32
    %dma_start3A_103 = tpu.memref_slice %arg5[%add3A, %dma_start3A_101, %dma_start3A_102] : memref<32x128x64xf32, #tpu.memory_space<hbm>> -> memref<1x64x64xf32, #tpu.memory_space<hbm>>
    %dma_start3A_104 = tpu.memref_squeeze %dma_start3A_103 : memref<1x64x64xf32, #tpu.memory_space<hbm>> -> memref<64x64xf32, #tpu.memory_space<hbm>>
    %dma_start3A_105 = arith.constant 0 : i32
    %dma_start3A_106 = arith.constant 0 : i32
    %dma_start3A_107 = tpu.memref_slice %arg10[%dma_start3A_105, %dma_start3A_106] : memref<128x64xf32, #tpu.memory_space<vmem>> -> memref<64x64xf32, #tpu.memory_space<vmem>>
    tpu.enqueue_dma source(%dma_start3A_107 : memref<64x64xf32, #tpu.memory_space<vmem>>) target(%dma_start3A_104 : memref<64x64xf32, #tpu.memory_space<hbm>>) target_semaphore(%arg13 : memref<!tpu.dma_semaphore, #tpu.memory_space<semaphore_mem>>)
    %dma_wait3A_108 = arith.constant 0 : i32
    %dma_wait3A_109 = arith.constant 64 : i32
    %dma_wait3A_110 = arith.constant 0 : i32
    %dma_wait3A_111 = tpu.memref_slice %arg7[%dma_wait3A_109, %dma_wait3A_110] : memref<128x128xf32, #tpu.memory_space<vmem>> -> memref<64x128xf32, #tpu.memory_space<vmem>>
    %dma_wait3A_112 = arith.constant 64 : i32
    %dma_wait3A_113 = tpu.memref_slice %arg6[%dma_wait3A_108, %dma_wait3A_112] : memref<3x128xi32, #tpu.memory_space<vmem>> -> memref<1x64xi32, #tpu.memory_space<vmem>>
    %dma_wait3A_114 = tpu.memref_squeeze %dma_wait3A_113 : memref<1x64xi32, #tpu.memory_space<vmem>> -> memref<64xi32, #tpu.memory_space<vmem>>
    %dma_wait3A_115 = arith.constant 0 : i32
    %dma_wait3A_116 = arith.constant 0 : i32
    %dma_wait3A_117 = tpu.memref_slice %arg2[%dma_wait3A_115, %dma_wait3A_116] : memref<100000x128xf32, #tpu.memory_space<hbm>> -> memref<100000x128xf32, #tpu.memory_space<hbm>>
    tpu.wait_indirect_dma semaphore(%arg12 : memref<!tpu.dma_semaphore, #tpu.memory_space<semaphore_mem>>) src(%dma_wait3A_117 : memref<100000x128xf32, #tpu.memory_space<hbm>>) dst(%dma_wait3A_111 : memref<64x128xf32, #tpu.memory_space<vmem>>)
    %dma_wait3A_118 = arith.constant 1 : i32
    %dma_wait3A_119 = arith.constant 64 : i32
    %dma_wait3A_120 = arith.constant 0 : i32
    %dma_wait3A_121 = tpu.memref_slice %arg8[%dma_wait3A_119, %dma_wait3A_120] : memref<128x128xf32, #tpu.memory_space<vmem>> -> memref<64x128xf32, #tpu.memory_space<vmem>>
    %dma_wait3A_122 = arith.constant 64 : i32
    %dma_wait3A_123 = tpu.memref_slice %arg6[%dma_wait3A_118, %dma_wait3A_122] : memref<3x128xi32, #tpu.memory_space<vmem>> -> memref<1x64xi32, #tpu.memory_space<vmem>>
    %dma_wait3A_124 = tpu.memref_squeeze %dma_wait3A_123 : memref<1x64xi32, #tpu.memory_space<vmem>> -> memref<64xi32, #tpu.memory_space<vmem>>
    %dma_wait3A_125 = arith.constant 0 : i32
    %dma_wait3A_126 = arith.constant 0 : i32
    %dma_wait3A_127 = tpu.memref_slice %arg2[%dma_wait3A_125, %dma_wait3A_126] : memref<100000x128xf32, #tpu.memory_space<hbm>> -> memref<100000x128xf32, #tpu.memory_space<hbm>>
    tpu.wait_indirect_dma semaphore(%arg12 : memref<!tpu.dma_semaphore, #tpu.memory_space<semaphore_mem>>) src(%dma_wait3A_127 : memref<100000x128xf32, #tpu.memory_space<hbm>>) dst(%dma_wait3A_121 : memref<64x128xf32, #tpu.memory_space<vmem>>)
    %dma_wait3A_128 = arith.constant 2 : i32
    %dma_wait3A_129 = arith.constant 64 : i32
    %dma_wait3A_130 = arith.constant 0 : i32
    %dma_wait3A_131 = tpu.memref_slice %arg9[%dma_wait3A_129, %dma_wait3A_130] : memref<128x128xf32, #tpu.memory_space<vmem>> -> memref<64x128xf32, #tpu.memory_space<vmem>>
    %dma_wait3A_132 = arith.constant 64 : i32
    %dma_wait3A_133 = tpu.memref_slice %arg6[%dma_wait3A_128, %dma_wait3A_132] : memref<3x128xi32, #tpu.memory_space<vmem>> -> memref<1x64xi32, #tpu.memory_space<vmem>>
    %dma_wait3A_134 = tpu.memref_squeeze %dma_wait3A_133 : memref<1x64xi32, #tpu.memory_space<vmem>> -> memref<64xi32, #tpu.memory_space<vmem>>
    %dma_wait3A_135 = arith.constant 0 : i32
    %dma_wait3A_136 = arith.constant 0 : i32
    %dma_wait3A_137 = tpu.memref_slice %arg3[%dma_wait3A_135, %dma_wait3A_136] : memref<1000x128xf32, #tpu.memory_space<hbm>> -> memref<1000x128xf32, #tpu.memory_space<hbm>>
    tpu.wait_indirect_dma semaphore(%arg12 : memref<!tpu.dma_semaphore, #tpu.memory_space<semaphore_mem>>) src(%dma_wait3A_137 : memref<1000x128xf32, #tpu.memory_space<hbm>>) dst(%dma_wait3A_131 : memref<64x128xf32, #tpu.memory_space<vmem>>)
    %scan3A_138 = arith.constant 0 : i32
    %scan3A_139 = arith.constant 64 : i32
    %scan3A_140 = arith.constant 64 : i32
    %scan3A_141 = arith.addi %scan3A_139, %scan3A_140 : i32
    %scan3A_142 = arith.constant 1 : i32
    scf.for %scan3A_186 = %scan3A_139 to %scan3A_141 step %scan3A_142  : i32 {
      %get3A = arith.index_cast %scan3A_186 : i32 to index
      %get3A_187 = arith.constant 0 : index
      %get3A_188 = tpu.vector_load %arg7[%get3A, %get3A_187] {strides = array<i32>} : memref<128x128xf32, #tpu.memory_space<vmem>>, vector<1x16xf32>,
      %get3A_189 = vector.shape_cast %get3A_188 : vector<1x16xf32> to vector<16xf32>
      %get3A_190 = arith.index_cast %scan3A_186 : i32 to index
      %get3A_191 = arith.constant 64 : index
      %get3A_192 = tpu.vector_load %arg7[%get3A_190, %get3A_191] {strides = array<i32>} : memref<128x128xf32, #tpu.memory_space<vmem>>, vector<1x16xf32>,
      %get3A_193 = vector.shape_cast %get3A_192 : vector<1x16xf32> to vector<16xf32>
      %get3A_194 = arith.index_cast %scan3A_186 : i32 to index
      %get3A_195 = arith.constant 0 : index
      %get3A_196 = tpu.vector_load %arg8[%get3A_194, %get3A_195] {strides = array<i32>} : memref<128x128xf32, #tpu.memory_space<vmem>>, vector<1x16xf32>,
      %get3A_197 = vector.shape_cast %get3A_196 : vector<1x16xf32> to vector<16xf32>
      %get3A_198 = arith.index_cast %scan3A_186 : i32 to index
      %get3A_199 = arith.constant 64 : index
      %get3A_200 = tpu.vector_load %arg8[%get3A_198, %get3A_199] {strides = array<i32>} : memref<128x128xf32, #tpu.memory_space<vmem>>, vector<1x16xf32>,
      %get3A_201 = vector.shape_cast %get3A_200 : vector<1x16xf32> to vector<16xf32>
      %get3A_202 = arith.index_cast %scan3A_186 : i32 to index
      %get3A_203 = arith.constant 64 : index
      %get3A_204 = tpu.vector_load %arg9[%get3A_202, %get3A_203] {strides = array<i32>} : memref<128x128xf32, #tpu.memory_space<vmem>>, vector<1x16xf32>,
      %get3A_205 = vector.shape_cast %get3A_204 : vector<1x16xf32> to vector<16xf32>
      %mul3A_206 = arith.mulf %get3A_205, %get3A_205 : vector<16xf32>
      %mul3A_207 = arith.constant 2.48015876E-5 : f32
      %mul3A_208 = vector.broadcast %mul3A_207 : f32 to vector<16xf32>
      %mul3A_209 = arith.mulf %mul3A_206, %mul3A_208 : vector<16xf32>
      %add3A_210 = arith.constant -0.00138888892 : f32
      %add3A_211 = vector.broadcast %add3A_210 : f32 to vector<16xf32>
      %add3A_212 = arith.addf %add3A_211, %mul3A_209 : vector<16xf32>
      %mul3A_213 = arith.mulf %mul3A_206, %add3A_212 : vector<16xf32>
      %add3A_214 = arith.constant 0.0416666679 : f32
      %add3A_215 = vector.broadcast %add3A_214 : f32 to vector<16xf32>
      %add3A_216 = arith.addf %add3A_215, %mul3A_213 : vector<16xf32>
      %mul3A_217 = arith.mulf %mul3A_206, %add3A_216 : vector<16xf32>
      %add3A_218 = arith.constant -5.000000e-01 : f32
      %add3A_219 = vector.broadcast %add3A_218 : f32 to vector<16xf32>
      %add3A_220 = arith.addf %add3A_219, %mul3A_217 : vector<16xf32>
      %mul3A_221 = arith.mulf %mul3A_206, %add3A_220 : vector<16xf32>
      %add3A_222 = arith.constant 1.000000e+00 : f32
      %add3A_223 = vector.broadcast %add3A_222 : f32 to vector<16xf32>
      %add3A_224 = arith.addf %add3A_223, %mul3A_221 : vector<16xf32>
      %mul3A_225 = arith.constant -1.98412701E-4 : f32
      %mul3A_226 = vector.broadcast %mul3A_225 : f32 to vector<16xf32>
      %mul3A_227 = arith.mulf %mul3A_206, %mul3A_226 : vector<16xf32>
      %add3A_228 = arith.constant 0.00833333377 : f32
      %add3A_229 = vector.broadcast %add3A_228 : f32 to vector<16xf32>
      %add3A_230 = arith.addf %add3A_229, %mul3A_227 : vector<16xf32>
      %mul3A_231 = arith.mulf %mul3A_206, %add3A_230 : vector<16xf32>
      %add3A_232 = arith.constant -0.166666672 : f32
      %add3A_233 = vector.broadcast %add3A_232 : f32 to vector<16xf32>
      %add3A_234 = arith.addf %add3A_233, %mul3A_231 : vector<16xf32>
      %mul3A_235 = arith.mulf %mul3A_206, %add3A_234 : vector<16xf32>
      %add3A_236 = arith.constant 1.000000e+00 : f32
      %add3A_237 = vector.broadcast %add3A_236 : f32 to vector<16xf32>
      %add3A_238 = arith.addf %add3A_237, %mul3A_235 : vector<16xf32>
      %mul3A_239 = arith.mulf %get3A_205, %add3A_238 : vector<16xf32>
      %mul3A_240 = arith.mulf %get3A_189, %add3A_224 : vector<16xf32>
      %mul3A_241 = arith.mulf %get3A_193, %mul3A_239 : vector<16xf32>
      %sub3A = arith.subf %mul3A_240, %mul3A_241 : vector<16xf32>
      %sub3A_242 = arith.subf %sub3A, %get3A_197 : vector<16xf32>
      %mul3A_243 = arith.mulf %get3A_189, %mul3A_239 : vector<16xf32>
      %mul3A_244 = arith.mulf %get3A_193, %add3A_224 : vector<16xf32>
      %add3A_245 = arith.addf %mul3A_243, %mul3A_244 : vector<16xf32>
      %sub3A_246 = arith.subf %add3A_245, %get3A_201 : vector<16xf32>
      %mul3A_247 = arith.mulf %sub3A_242, %sub3A_242 : vector<16xf32>
      %mul3A_248 = arith.mulf %sub3A_246, %sub3A_246 : vector<16xf32>
      %add3A_249 = arith.addf %mul3A_247, %mul3A_248 : vector<16xf32>
      %swap3A = arith.index_cast %scan3A_186 : i32 to index
      %swap3A_250 = arith.constant 0 : index
      %swap3A_251 = tpu.vector_load %arg10[%swap3A, %swap3A_250] {strides = array<i32>} : memref<128x64xf32, #tpu.memory_space<vmem>>, vector<1x16xf32>,
      %swap3A_252 = vector.shape_cast %swap3A_251 : vector<1x16xf32> to vector<16xf32>
      %swap3A_253 = vector.shape_cast %add3A_249 : vector<16xf32> to vector<1x16xf32>
      tpu.vector_store %arg10[%swap3A, %swap3A_250], %swap3A_253 {strides = array<i32>} : memref<128x64xf32, #tpu.memory_space<vmem>>, vector<1x16xf32>,
      %get3A_254 = arith.index_cast %scan3A_186 : i32 to index
      %get3A_255 = arith.constant 16 : index
      %get3A_256 = tpu.vector_load %arg7[%get3A_254, %get3A_255] {strides = array<i32>} : memref<128x128xf32, #tpu.memory_space<vmem>>, vector<1x16xf32>,
      %get3A_257 = vector.shape_cast %get3A_256 : vector<1x16xf32> to vector<16xf32>
      %get3A_258 = arith.index_cast %scan3A_186 : i32 to index
      %get3A_259 = arith.constant 80 : index
      %get3A_260 = tpu.vector_load %arg7[%get3A_258, %get3A_259] {strides = array<i32>} : memref<128x128xf32, #tpu.memory_space<vmem>>, vector<1x16xf32>,
      %get3A_261 = vector.shape_cast %get3A_260 : vector<1x16xf32> to vector<16xf32>
      %get3A_262 = arith.index_cast %scan3A_186 : i32 to index
      %get3A_263 = arith.constant 16 : index
      %get3A_264 = tpu.vector_load %arg8[%get3A_262, %get3A_263] {strides = array<i32>} : memref<128x128xf32, #tpu.memory_space<vmem>>, vector<1x16xf32>,
      %get3A_265 = vector.shape_cast %get3A_264 : vector<1x16xf32> to vector<16xf32>
      %get3A_266 = arith.index_cast %scan3A_186 : i32 to index
      %get3A_267 = arith.constant 80 : index
      %get3A_268 = tpu.vector_load %arg8[%get3A_266, %get3A_267] {strides = array<i32>} : memref<128x128xf32, #tpu.memory_space<vmem>>, vector<1x16xf32>,
      %get3A_269 = vector.shape_cast %get3A_268 : vector<1x16xf32> to vector<16xf32>
      %get3A_270 = arith.index_cast %scan3A_186 : i32 to index
      %get3A_271 = arith.constant 80 : index
      %get3A_272 = tpu.vector_load %arg9[%get3A_270, %get3A_271] {strides = array<i32>} : memref<128x128xf32, #tpu.memory_space<vmem>>, vector<1x16xf32>,
      %get3A_273 = vector.shape_cast %get3A_272 : vector<1x16xf32> to vector<16xf32>
      %mul3A_274 = arith.mulf %get3A_273, %get3A_273 : vector<16xf32>
      %mul3A_275 = arith.constant 2.48015876E-5 : f32
      %mul3A_276 = vector.broadcast %mul3A_275 : f32 to vector<16xf32>
      %mul3A_277 = arith.mulf %mul3A_274, %mul3A_276 : vector<16xf32>
      %add3A_278 = arith.constant -0.00138888892 : f32
      %add3A_279 = vector.broadcast %add3A_278 : f32 to vector<16xf32>
      %add3A_280 = arith.addf %add3A_279, %mul3A_277 : vector<16xf32>
      %mul3A_281 = arith.mulf %mul3A_274, %add3A_280 : vector<16xf32>
      %add3A_282 = arith.constant 0.0416666679 : f32
      %add3A_283 = vector.broadcast %add3A_282 : f32 to vector<16xf32>
      %add3A_284 = arith.addf %add3A_283, %mul3A_281 : vector<16xf32>
      %mul3A_285 = arith.mulf %mul3A_274, %add3A_284 : vector<16xf32>
      %add3A_286 = arith.constant -5.000000e-01 : f32
      %add3A_287 = vector.broadcast %add3A_286 : f32 to vector<16xf32>
      %add3A_288 = arith.addf %add3A_287, %mul3A_285 : vector<16xf32>
      %mul3A_289 = arith.mulf %mul3A_274, %add3A_288 : vector<16xf32>
      %add3A_290 = arith.constant 1.000000e+00 : f32
      %add3A_291 = vector.broadcast %add3A_290 : f32 to vector<16xf32>
      %add3A_292 = arith.addf %add3A_291, %mul3A_289 : vector<16xf32>
      %mul3A_293 = arith.constant -1.98412701E-4 : f32
      %mul3A_294 = vector.broadcast %mul3A_293 : f32 to vector<16xf32>
      %mul3A_295 = arith.mulf %mul3A_274, %mul3A_294 : vector<16xf32>
      %add3A_296 = arith.constant 0.00833333377 : f32
      %add3A_297 = vector.broadcast %add3A_296 : f32 to vector<16xf32>
      %add3A_298 = arith.addf %add3A_297, %mul3A_295 : vector<16xf32>
      %mul3A_299 = arith.mulf %mul3A_274, %add3A_298 : vector<16xf32>
      %add3A_300 = arith.constant -0.166666672 : f32
      %add3A_301 = vector.broadcast %add3A_300 : f32 to vector<16xf32>
      %add3A_302 = arith.addf %add3A_301, %mul3A_299 : vector<16xf32>
      %mul3A_303 = arith.mulf %mul3A_274, %add3A_302 : vector<16xf32>
      %add3A_304 = arith.constant 1.000000e+00 : f32
      %add3A_305 = vector.broadcast %add3A_304 : f32 to vector<16xf32>
      %add3A_306 = arith.addf %add3A_305, %mul3A_303 : vector<16xf32>
      %mul3A_307 = arith.mulf %get3A_273, %add3A_306 : vector<16xf32>
      %mul3A_308 = arith.mulf %get3A_257, %add3A_292 : vector<16xf32>
      %mul3A_309 = arith.mulf %get3A_261, %mul3A_307 : vector<16xf32>
      %sub3A_310 = arith.subf %mul3A_308, %mul3A_309 : vector<16xf32>
      %sub3A_311 = arith.subf %sub3A_310, %get3A_265 : vector<16xf32>
      %mul3A_312 = arith.mulf %get3A_257, %mul3A_307 : vector<16xf32>
      %mul3A_313 = arith.mulf %get3A_261, %add3A_292 : vector<16xf32>
      %add3A_314 = arith.addf %mul3A_312, %mul3A_313 : vector<16xf32>
      %sub3A_315 = arith.subf %add3A_314, %get3A_269 : vector<16xf32>
      %mul3A_316 = arith.mulf %sub3A_311, %sub3A_311 : vector<16xf32>
      %mul3A_317 = arith.mulf %sub3A_315, %sub3A_315 : vector<16xf32>
      %add3A_318 = arith.addf %mul3A_316, %mul3A_317 : vector<16xf32>
      %swap3A_319 = arith.index_cast %scan3A_186 : i32 to index
      %swap3A_320 = arith.constant 16 : index
      %swap3A_321 = tpu.vector_load %arg10[%swap3A_319, %swap3A_320] {strides = array<i32>} : memref<128x64xf32, #tpu.memory_space<vmem>>, vector<1x16xf32>,
      %swap3A_322 = vector.shape_cast %swap3A_321 : vector<1x16xf32> to vector<16xf32>
      %swap3A_323 = vector.shape_cast %add3A_318 : vector<16xf32> to vector<1x16xf32>
      tpu.vector_store %arg10[%swap3A_319, %swap3A_320], %swap3A_323 {strides = array<i32>} : memref<128x64xf32, #tpu.memory_space<vmem>>, vector<1x16xf32>,
      %get3A_324 = arith.index_cast %scan3A_186 : i32 to index
      %get3A_325 = arith.constant 32 : index
      %get3A_326 = tpu.vector_load %arg7[%get3A_324, %get3A_325] {strides = array<i32>} : memref<128x128xf32, #tpu.memory_space<vmem>>, vector<1x16xf32>,
      %get3A_327 = vector.shape_cast %get3A_326 : vector<1x16xf32> to vector<16xf32>
      %get3A_328 = arith.index_cast %scan3A_186 : i32 to index
      %get3A_329 = arith.constant 96 : index
      %get3A_330 = tpu.vector_load %arg7[%get3A_328, %get3A_329] {strides = array<i32>} : memref<128x128xf32, #tpu.memory_space<vmem>>, vector<1x16xf32>,
      %get3A_331 = vector.shape_cast %get3A_330 : vector<1x16xf32> to vector<16xf32>
      %get3A_332 = arith.index_cast %scan3A_186 : i32 to index
      %get3A_333 = arith.constant 32 : index
      %get3A_334 = tpu.vector_load %arg8[%get3A_332, %get3A_333] {strides = array<i32>} : memref<128x128xf32, #tpu.memory_space<vmem>>, vector<1x16xf32>,
      %get3A_335 = vector.shape_cast %get3A_334 : vector<1x16xf32> to vector<16xf32>
      %get3A_336 = arith.index_cast %scan3A_186 : i32 to index
      %get3A_337 = arith.constant 96 : index
      %get3A_338 = tpu.vector_load %arg8[%get3A_336, %get3A_337] {strides = array<i32>} : memref<128x128xf32, #tpu.memory_space<vmem>>, vector<1x16xf32>,
      %get3A_339 = vector.shape_cast %get3A_338 : vector<1x16xf32> to vector<16xf32>
      %get3A_340 = arith.index_cast %scan3A_186 : i32 to index
      %get3A_341 = arith.constant 96 : index
      %get3A_342 = tpu.vector_load %arg9[%get3A_340, %get3A_341] {strides = array<i32>} : memref<128x128xf32, #tpu.memory_space<vmem>>, vector<1x16xf32>,
      %get3A_343 = vector.shape_cast %get3A_342 : vector<1x16xf32> to vector<16xf32>
      %mul3A_344 = arith.mulf %get3A_343, %get3A_343 : vector<16xf32>
      %mul3A_345 = arith.constant 2.48015876E-5 : f32
      %mul3A_346 = vector.broadcast %mul3A_345 : f32 to vector<16xf32>
      %mul3A_347 = arith.mulf %mul3A_344, %mul3A_346 : vector<16xf32>
      %add3A_348 = arith.constant -0.00138888892 : f32
      %add3A_349 = vector.broadcast %add3A_348 : f32 to vector<16xf32>
      %add3A_350 = arith.addf %add3A_349, %mul3A_347 : vector<16xf32>
      %mul3A_351 = arith.mulf %mul3A_344, %add3A_350 : vector<16xf32>
      %add3A_352 = arith.constant 0.0416666679 : f32
      %add3A_353 = vector.broadcast %add3A_352 : f32 to vector<16xf32>
      %add3A_354 = arith.addf %add3A_353, %mul3A_351 : vector<16xf32>
      %mul3A_355 = arith.mulf %mul3A_344, %add3A_354 : vector<16xf32>
      %add3A_356 = arith.constant -5.000000e-01 : f32
      %add3A_357 = vector.broadcast %add3A_356 : f32 to vector<16xf32>
      %add3A_358 = arith.addf %add3A_357, %mul3A_355 : vector<16xf32>
      %mul3A_359 = arith.mulf %mul3A_344, %add3A_358 : vector<16xf32>
      %add3A_360 = arith.constant 1.000000e+00 : f32
      %add3A_361 = vector.broadcast %add3A_360 : f32 to vector<16xf32>
      %add3A_362 = arith.addf %add3A_361, %mul3A_359 : vector<16xf32>
      %mul3A_363 = arith.constant -1.98412701E-4 : f32
      %mul3A_364 = vector.broadcast %mul3A_363 : f32 to vector<16xf32>
      %mul3A_365 = arith.mulf %mul3A_344, %mul3A_364 : vector<16xf32>
      %add3A_366 = arith.constant 0.00833333377 : f32
      %add3A_367 = vector.broadcast %add3A_366 : f32 to vector<16xf32>
      %add3A_368 = arith.addf %add3A_367, %mul3A_365 : vector<16xf32>
      %mul3A_369 = arith.mulf %mul3A_344, %add3A_368 : vector<16xf32>
      %add3A_370 = arith.constant -0.166666672 : f32
      %add3A_371 = vector.broadcast %add3A_370 : f32 to vector<16xf32>
      %add3A_372 = arith.addf %add3A_371, %mul3A_369 : vector<16xf32>
      %mul3A_373 = arith.mulf %mul3A_344, %add3A_372 : vector<16xf32>
      %add3A_374 = arith.constant 1.000000e+00 : f32
      %add3A_375 = vector.broadcast %add3A_374 : f32 to vector<16xf32>
      %add3A_376 = arith.addf %add3A_375, %mul3A_373 : vector<16xf32>
      %mul3A_377 = arith.mulf %get3A_343, %add3A_376 : vector<16xf32>
      %mul3A_378 = arith.mulf %get3A_327, %add3A_362 : vector<16xf32>
      %mul3A_379 = arith.mulf %get3A_331, %mul3A_377 : vector<16xf32>
      %sub3A_380 = arith.subf %mul3A_378, %mul3A_379 : vector<16xf32>
      %sub3A_381 = arith.subf %sub3A_380, %get3A_335 : vector<16xf32>
      %mul3A_382 = arith.mulf %get3A_327, %mul3A_377 : vector<16xf32>
      %mul3A_383 = arith.mulf %get3A_331, %add3A_362 : vector<16xf32>
      %add3A_384 = arith.addf %mul3A_382, %mul3A_383 : vector<16xf32>
      %sub3A_385 = arith.subf %add3A_384, %get3A_339 : vector<16xf32>
      %mul3A_386 = arith.mulf %sub3A_381, %sub3A_381 : vector<16xf32>
      %mul3A_387 = arith.mulf %sub3A_385, %sub3A_385 : vector<16xf32>
      %add3A_388 = arith.addf %mul3A_386, %mul3A_387 : vector<16xf32>
      %swap3A_389 = arith.index_cast %scan3A_186 : i32 to index
      %swap3A_390 = arith.constant 32 : index
      %swap3A_391 = tpu.vector_load %arg10[%swap3A_389, %swap3A_390] {strides = array<i32>} : memref<128x64xf32, #tpu.memory_space<vmem>>, vector<1x16xf32>,
      %swap3A_392 = vector.shape_cast %swap3A_391 : vector<1x16xf32> to vector<16xf32>
      %swap3A_393 = vector.shape_cast %add3A_388 : vector<16xf32> to vector<1x16xf32>
      tpu.vector_store %arg10[%swap3A_389, %swap3A_390], %swap3A_393 {strides = array<i32>} : memref<128x64xf32, #tpu.memory_space<vmem>>, vector<1x16xf32>,
      %get3A_394 = arith.index_cast %scan3A_186 : i32 to index
      %get3A_395 = arith.constant 48 : index
      %get3A_396 = tpu.vector_load %arg7[%get3A_394, %get3A_395] {strides = array<i32>} : memref<128x128xf32, #tpu.memory_space<vmem>>, vector<1x16xf32>,
      %get3A_397 = vector.shape_cast %get3A_396 : vector<1x16xf32> to vector<16xf32>
      %get3A_398 = arith.index_cast %scan3A_186 : i32 to index
      %get3A_399 = arith.constant 112 : index
      %get3A_400 = tpu.vector_load %arg7[%get3A_398, %get3A_399] {strides = array<i32>} : memref<128x128xf32, #tpu.memory_space<vmem>>, vector<1x16xf32>,
      %get3A_401 = vector.shape_cast %get3A_400 : vector<1x16xf32> to vector<16xf32>
      %get3A_402 = arith.index_cast %scan3A_186 : i32 to index
      %get3A_403 = arith.constant 48 : index
      %get3A_404 = tpu.vector_load %arg8[%get3A_402, %get3A_403] {strides = array<i32>} : memref<128x128xf32, #tpu.memory_space<vmem>>, vector<1x16xf32>,
      %get3A_405 = vector.shape_cast %get3A_404 : vector<1x16xf32> to vector<16xf32>
      %get3A_406 = arith.index_cast %scan3A_186 : i32 to index
      %get3A_407 = arith.constant 112 : index
      %get3A_408 = tpu.vector_load %arg8[%get3A_406, %get3A_407] {strides = array<i32>} : memref<128x128xf32, #tpu.memory_space<vmem>>, vector<1x16xf32>,
      %get3A_409 = vector.shape_cast %get3A_408 : vector<1x16xf32> to vector<16xf32>
      %get3A_410 = arith.index_cast %scan3A_186 : i32 to index
      %get3A_411 = arith.constant 112 : index
      %get3A_412 = tpu.vector_load %arg9[%get3A_410, %get3A_411] {strides = array<i32>} : memref<128x128xf32, #tpu.memory_space<vmem>>, vector<1x16xf32>,
      %get3A_413 = vector.shape_cast %get3A_412 : vector<1x16xf32> to vector<16xf32>
      %mul3A_414 = arith.mulf %get3A_413, %get3A_413 : vector<16xf32>
      %mul3A_415 = arith.constant 2.48015876E-5 : f32
      %mul3A_416 = vector.broadcast %mul3A_415 : f32 to vector<16xf32>
      %mul3A_417 = arith.mulf %mul3A_414, %mul3A_416 : vector<16xf32>
      %add3A_418 = arith.constant -0.00138888892 : f32
      %add3A_419 = vector.broadcast %add3A_418 : f32 to vector<16xf32>
      %add3A_420 = arith.addf %add3A_419, %mul3A_417 : vector<16xf32>
      %mul3A_421 = arith.mulf %mul3A_414, %add3A_420 : vector<16xf32>
      %add3A_422 = arith.constant 0.0416666679 : f32
      %add3A_423 = vector.broadcast %add3A_422 : f32 to vector<16xf32>
      %add3A_424 = arith.addf %add3A_423, %mul3A_421 : vector<16xf32>
      %mul3A_425 = arith.mulf %mul3A_414, %add3A_424 : vector<16xf32>
      %add3A_426 = arith.constant -5.000000e-01 : f32
      %add3A_427 = vector.broadcast %add3A_426 : f32 to vector<16xf32>
      %add3A_428 = arith.addf %add3A_427, %mul3A_425 : vector<16xf32>
      %mul3A_429 = arith.mulf %mul3A_414, %add3A_428 : vector<16xf32>
      %add3A_430 = arith.constant 1.000000e+00 : f32
      %add3A_431 = vector.broadcast %add3A_430 : f32 to vector<16xf32>
      %add3A_432 = arith.addf %add3A_431, %mul3A_429 : vector<16xf32>
      %mul3A_433 = arith.constant -1.98412701E-4 : f32
      %mul3A_434 = vector.broadcast %mul3A_433 : f32 to vector<16xf32>
      %mul3A_435 = arith.mulf %mul3A_414, %mul3A_434 : vector<16xf32>
      %add3A_436 = arith.constant 0.00833333377 : f32
      %add3A_437 = vector.broadcast %add3A_436 : f32 to vector<16xf32>
      %add3A_438 = arith.addf %add3A_437, %mul3A_435 : vector<16xf32>
      %mul3A_439 = arith.mulf %mul3A_414, %add3A_438 : vector<16xf32>
      %add3A_440 = arith.constant -0.166666672 : f32
      %add3A_441 = vector.broadcast %add3A_440 : f32 to vector<16xf32>
      %add3A_442 = arith.addf %add3A_441, %mul3A_439 : vector<16xf32>
      %mul3A_443 = arith.mulf %mul3A_414, %add3A_442 : vector<16xf32>
      %add3A_444 = arith.constant 1.000000e+00 : f32
      %add3A_445 = vector.broadcast %add3A_444 : f32 to vector<16xf32>
      %add3A_446 = arith.addf %add3A_445, %mul3A_443 : vector<16xf32>
      %mul3A_447 = arith.mulf %get3A_413, %add3A_446 : vector<16xf32>
      %mul3A_448 = arith.mulf %get3A_397, %add3A_432 : vector<16xf32>
      %mul3A_449 = arith.mulf %get3A_401, %mul3A_447 : vector<16xf32>
      %sub3A_450 = arith.subf %mul3A_448, %mul3A_449 : vector<16xf32>
      %sub3A_451 = arith.subf %sub3A_450, %get3A_405 : vector<16xf32>
      %mul3A_452 = arith.mulf %get3A_397, %mul3A_447 : vector<16xf32>
      %mul3A_453 = arith.mulf %get3A_401, %add3A_432 : vector<16xf32>
      %add3A_454 = arith.addf %mul3A_452, %mul3A_453 : vector<16xf32>
      %sub3A_455 = arith.subf %add3A_454, %get3A_409 : vector<16xf32>
      %mul3A_456 = arith.mulf %sub3A_451, %sub3A_451 : vector<16xf32>
      %mul3A_457 = arith.mulf %sub3A_455, %sub3A_455 : vector<16xf32>
      %add3A_458 = arith.addf %mul3A_456, %mul3A_457 : vector<16xf32>
      %swap3A_459 = arith.index_cast %scan3A_186 : i32 to index
      %swap3A_460 = arith.constant 48 : index
      %swap3A_461 = tpu.vector_load %arg10[%swap3A_459, %swap3A_460] {strides = array<i32>} : memref<128x64xf32, #tpu.memory_space<vmem>>, vector<1x16xf32>,
      %swap3A_462 = vector.shape_cast %swap3A_461 : vector<1x16xf32> to vector<16xf32>
      %swap3A_463 = vector.shape_cast %add3A_458 : vector<16xf32> to vector<1x16xf32>
      tpu.vector_store %arg10[%swap3A_459, %swap3A_460], %swap3A_463 {strides = array<i32>} : memref<128x64xf32, #tpu.memory_space<vmem>>, vector<1x16xf32>,
    }
    %scan3A_143 = arith.constant 64 : i32
    %dma_start3A_144 = arith.constant 64 : i32
    %dma_start3A_145 = arith.constant 0 : i32
    %dma_start3A_146 = tpu.memref_slice %arg10[%dma_start3A_144, %dma_start3A_145] : memref<128x64xf32, #tpu.memory_space<vmem>> -> memref<64x64xf32, #tpu.memory_space<vmem>>
    %dma_start3A_147 = arith.constant 64 : i32
    %dma_start3A_148 = arith.constant 0 : i32
    %dma_start3A_149 = tpu.memref_slice %arg5[%add3A, %dma_start3A_147, %dma_start3A_148] : memref<32x128x64xf32, #tpu.memory_space<hbm>> -> memref<1x64x64xf32, #tpu.memory_space<hbm>>
    %dma_start3A_150 = tpu.memref_squeeze %dma_start3A_149 : memref<1x64x64xf32, #tpu.memory_space<hbm>> -> memref<64x64xf32, #tpu.memory_space<hbm>>
    %dma_start3A_151 = arith.constant 64 : i32
    %dma_start3A_152 = arith.constant 0 : i32
    %dma_start3A_153 = tpu.memref_slice %arg5[%add3A, %dma_start3A_151, %dma_start3A_152] : memref<32x128x64xf32, #tpu.memory_space<hbm>> -> memref<1x64x64xf32, #tpu.memory_space<hbm>>
    %dma_start3A_154 = tpu.memref_squeeze %dma_start3A_153 : memref<1x64x64xf32, #tpu.memory_space<hbm>> -> memref<64x64xf32, #tpu.memory_space<hbm>>
    %dma_start3A_155 = arith.constant 64 : i32
    %dma_start3A_156 = arith.constant 0 : i32
    %dma_start3A_157 = tpu.memref_slice %arg10[%dma_start3A_155, %dma_start3A_156] : memref<128x64xf32, #tpu.memory_space<vmem>> -> memref<64x64xf32, #tpu.memory_space<vmem>>
    tpu.enqueue_dma source(%dma_start3A_157 : memref<64x64xf32, #tpu.memory_space<vmem>>) target(%dma_start3A_154 : memref<64x64xf32, #tpu.memory_space<hbm>>) target_semaphore(%arg13 : memref<!tpu.dma_semaphore, #tpu.memory_space<semaphore_mem>>)
    %dma_wait3A_158 = arith.constant 0 : i32
    %dma_wait3A_159 = arith.constant 0 : i32
    %dma_wait3A_160 = tpu.memref_slice %arg10[%dma_wait3A_158, %dma_wait3A_159] : memref<128x64xf32, #tpu.memory_space<vmem>> -> memref<64x64xf32, #tpu.memory_space<vmem>>
    %dma_wait3A_161 = arith.constant 0 : i32
    %dma_wait3A_162 = arith.constant 0 : i32
    %dma_wait3A_163 = tpu.memref_slice %arg5[%add3A, %dma_wait3A_161, %dma_wait3A_162] : memref<32x128x64xf32, #tpu.memory_space<hbm>> -> memref<1x64x64xf32, #tpu.memory_space<hbm>>
    %dma_wait3A_164 = tpu.memref_squeeze %dma_wait3A_163 : memref<1x64x64xf32, #tpu.memory_space<hbm>> -> memref<64x64xf32, #tpu.memory_space<hbm>>
    %dma_wait3A_165 = arith.constant 0 : i32
    %dma_wait3A_166 = arith.constant 0 : i32
    %dma_wait3A_167 = tpu.memref_slice %arg5[%add3A, %dma_wait3A_165, %dma_wait3A_166] : memref<32x128x64xf32, #tpu.memory_space<hbm>> -> memref<1x64x64xf32, #tpu.memory_space<hbm>>
    %dma_wait3A_168 = tpu.memref_squeeze %dma_wait3A_167 : memref<1x64x64xf32, #tpu.memory_space<hbm>> -> memref<64x64xf32, #tpu.memory_space<hbm>>
    %dma_wait3A_169 = arith.constant 0 : i32
    %dma_wait3A_170 = arith.constant 0 : i32
    %dma_wait3A_171 = tpu.memref_slice %arg10[%dma_wait3A_169, %dma_wait3A_170] : memref<128x64xf32, #tpu.memory_space<vmem>> -> memref<64x64xf32, #tpu.memory_space<vmem>>
    tpu.wait_dma2 semaphore(%arg13 : memref<!tpu.dma_semaphore, #tpu.memory_space<semaphore_mem>>) src(%dma_wait3A_171 : memref<64x64xf32, #tpu.memory_space<vmem>>) dst(%dma_wait3A_168 : memref<64x64xf32, #tpu.memory_space<hbm>>)
    %dma_wait3A_172 = arith.constant 64 : i32
    %dma_wait3A_173 = arith.constant 0 : i32
    %dma_wait3A_174 = tpu.memref_slice %arg10[%dma_wait3A_172, %dma_wait3A_173] : memref<128x64xf32, #tpu.memory_space<vmem>> -> memref<64x64xf32, #tpu.memory_space<vmem>>
    %dma_wait3A_175 = arith.constant 64 : i32
    %dma_wait3A_176 = arith.constant 0 : i32
    %dma_wait3A_177 = tpu.memref_slice %arg5[%add3A, %dma_wait3A_175, %dma_wait3A_176] : memref<32x128x64xf32, #tpu.memory_space<hbm>> -> memref<1x64x64xf32, #tpu.memory_space<hbm>>
    %dma_wait3A_178 = tpu.memref_squeeze %dma_wait3A_177 : memref<1x64x64xf32, #tpu.memory_space<hbm>> -> memref<64x64xf32, #tpu.memory_space<hbm>>
    %dma_wait3A_179 = arith.constant 64 : i32
    %dma_wait3A_180 = arith.constant 0 : i32
    %dma_wait3A_181 = tpu.memref_slice %arg5[%add3A, %dma_wait3A_179, %dma_wait3A_180] : memref<32x128x64xf32, #tpu.memory_space<hbm>> -> memref<1x64x64xf32, #tpu.memory_space<hbm>>
    %dma_wait3A_182 = tpu.memref_squeeze %dma_wait3A_181 : memref<1x64x64xf32, #tpu.memory_space<hbm>> -> memref<64x64xf32, #tpu.memory_space<hbm>>
    %dma_wait3A_183 = arith.constant 64 : i32
    %dma_wait3A_184 = arith.constant 0 : i32
    %dma_wait3A_185 = tpu.memref_slice %arg10[%dma_wait3A_183, %dma_wait3A_184] : memref<128x64xf32, #tpu.memory_space<vmem>> -> memref<64x64xf32, #tpu.memory_space<vmem>>
    tpu.wait_dma2 semaphore(%arg13 : memref<!tpu.dma_semaphore, #tpu.memory_space<semaphore_mem>>) src(%dma_wait3A_185 : memref<64x64xf32, #tpu.memory_space<vmem>>) dst(%dma_wait3A_182 : memref<64x64xf32, #tpu.memory_space<hbm>>)
    return
  }
}

module attributes {stable_mosaic.version = 14 : i64} {
  func.func @_tc_sqrt_reduce_body(%arg0: memref<2048x128xf32, #tpu.memory_space<vmem>>, %arg1: memref<1x1xf32, #tpu.memory_space<vmem>>) attributes {dimension_semantics = [], scalar_prefetch = 0 : i64, scratch_operands = 0 : i64, tpu.core_type = #tpu.core_type<tc>} {
    %get3A = arith.constant 0 : index
    %get3A_0 = arith.constant 0 : index
    %get3A_1 = vector.load %arg0[%get3A, %get3A_0] : memref<2048x128xf32, #tpu.memory_space<vmem>>, vector<2048x128xf32>
    %sqrt3A = math.sqrt %get3A_1 : vector<2048x128xf32>
    %reduce_sum3A = vector.shape_cast %sqrt3A : vector<2048x128xf32> to vector<1x2048x128xf32>
    %reduce_sum3A_2 = arith.constant dense<0.000000e+00> : vector<1xf32>
    %reduce_sum3A_3 = vector.multi_reduction <add>, %reduce_sum3A, %reduce_sum3A_2 [1, 2] : vector<1x2048x128xf32> to vector<1xf32>
    %reduce_sum3A_4 = vector.shape_cast %reduce_sum3A_3 : vector<1xf32> to vector<1x1x1xf32>
    %reduce_sum3A_5 = vector.extract %reduce_sum3A_4[0, 0, 0] : f32 from vector<1x1x1xf32>
    %mul3A = arith.constant 3.81469727E-6 : f32
    %mul3A_6 = arith.mulf %reduce_sum3A_5, %mul3A : f32
    %reshape3A = vector.broadcast %mul3A_6 : f32 to vector<1x1xf32>
    %swap3A = arith.constant 0 : index
    %swap3A_7 = arith.constant 0 : index
    %swap3A_8 = vector.load %arg1[%swap3A, %swap3A_7] : memref<1x1xf32, #tpu.memory_space<vmem>>, vector<1x1xf32>
    tpu.vector_store %arg1[%swap3A, %swap3A_7], %reshape3A {strides = array<i32>} : memref<1x1xf32, #tpu.memory_space<vmem>>, vector<1x1xf32>,
    return
  }
}

</mosaic_0001>

<sc_bundles>
// kernel: kernel.4.cloned.1.call-start
scs
__scs_entry_jumppad:
0x0: {  	(pc) =	sbr.rel $0x88, $3  }
0x1: {  	(tag) =	ssettag $0x0;
	lr =	simm.s32 $0x1  }
0x2: {  	[smem:$0x3F9E] =	sst lr;
	_ =	strace $0xD0000000  }
0x3: {  	_ = 	snop  }
0x4: {  	_ = 	snop  }
0x5: {  	_ = 	snop  }
0x6: {  	_ = 	snop  }
0x7: {  	_ = 	snop  }
__scs_overlays_trampoline_lowered:
0x8: {  	[smem:$0x3FAD] =	sst s0  }
0x9: {  	[smem:$0x3FAE] =	sst s1  }
0xa: {  	[smem:$0x3FAF] =	sst s2  }
0xb: {  	[smem:$0x3FB0] =	sst s3  }
0xc: {  	[smem:$0x3FB1] =	sst s4  }
0xd: {  	[smem:$0x3FB2] =	sst s5  }
0xe: {  	[smem:$0x3FB3] =	sst s6  }
0xf: {  	[smem:$0x3FB4] =	sst s7  }
0x10: {  	[smem:$0x3FB5] =	sst s8  }
0x11: {  	[smem:$0x3FB6] =	sst s9;
	s0 =	simm.s32 @!p0 $0x0  }
0x12: {  	s1 =	sld [smem:$0x3F9C];
	s0 =	simm.s32 @p0 $0x1  }
0x13: {  	[smem:$0x3FB7] =	sst s0;
	s0 =	simm.s32 @!p1 $0x0  }
0x14: {  	s2 =	sld [smem:$0x3F9B];
	s0 =	simm.s32 @p1 $0x1  }
0x15: {  	[smem:$0x3FB8] =	sst s0;
	s0 =	simm.s32 @!p2 $0x0  }
0x16: {  	s3 =	sld [smem:$0x3FDB];
	s0 =	simm.s32 @p2 $0x1  }
0x17: {  	s4 =	simm.s32 $0x1BF5;
	[smem:$0x3FBA] =	sst s0  }
0x18: {  	s0 =	sld [smem:$0x3F9D];
	_ =	swait.ge [sflag:s4], $0x0  }
0x19: {  	s7 =	sld [smem:$0x3F9E]  }
0x1a: {  	s8 =	sadd.s32 $0xFFFFE003, lr  }
0x1b: {  	s9 =	sadd.s32 $0xFFFFFEF7, lr;
	s5 =	simm.s32 $0xFFFFFFFF;
	p2 =	slt.u32 s8, $0xFFFFF086  }
0x1c: {  	p1 =	slt.u32 s9, $0xF7A;
	s5 =	simm.s32 @!p2 $0x0  }
0x1d: {  	s5 =	simm.s32 @p1 $0x1;
	p0 =	seq.s32 s7, s2  }
0x1e: {  	s7 =	smul.u32 @!p0 $0xF7A, s2;
	p2 =	seq.s32 @!p0 s5, $0x0  }
0x1f: {  	s9 =	smul.u32 $0xF7A, s1;
	s8 =	simm.s32 @!p0 $0x1BF5;
	p2 =	por !p2, p0  }
0x20: {  	[sflag:s8] =	ssyncset.s32 @!p0 $0xFFFFF086;
	s6 =	sadd.s32 @!p0 s3, s7;
	s7 =	simm.s32 @!p0 $0x108  }
0x21: {  	s3 =	sadd.s32 s3, s9;
	s6 =	sadd.s32 @!p0 $0x88, s6;
	s7 =	simm.s32 @p2 $0x1082  }
0x22: {  	[simem:s7], [sflag:s8] =	dma.local @!p0 [hbm:s6], $0xF7A  }
0x23: {  	s9 =	sor.u32 $0xD0000000, s2;
	s6 =	simm.s32 $0x108;
	_ =	swait.ge @!p0 [sflag:s8], $0x0  }
0x24: {  	s3 =	sadd.s32 $0x88, s3;
	s6 =	simm.s32 @!p1 $0x1082;
	[sflag:s4] =	ssyncset.s32 $0xFFFFF086  }
0x25: {  	[simem:s6], [sflag:s4] =	dma.local [hbm:s3], $0xF7A  }
0x26: {  	[smem:$0x3F9E] =	sst s1;
	(tag) =	ssettag s2;
	_ =	strace s9  }
0x27: {  	s1 =	sld [smem:$0x3FAE]  }
0x28: {  	s2 =	sld [smem:$0x3FAF]  }
0x29: {  	s4 =	sld [smem:$0x3FB1]  }
0x2a: {  	p0 =	seq.s32 s5, $0x0;
	s5 =	sld [smem:$0x3FB2]  }
0x2b: {  	s6 =	sld [smem:$0x3FB3]  }
0x2c: {  	s7 =	sld [smem:$0x3FB4]  }
0x2d: {  	s3 =	simm.s32 $0x108;
	s8 =	sld [smem:$0x3FB5]  }
0x2e: {  	s3 =	simm.s32 @!p0 $0x1082;
	s9 =	sld [smem:$0x3FB6]  }
0x2f: {  	lr =	sadd.s32 s0, s3;
	s0 =	sld [smem:$0x3FAD]  }
0x30: {  	s3 =	sld [smem:$0x3FB0]  }
0x31: {  	[smem:$0x3FB9] =	sst s10  }
0x32: {  	s10 =	sld [smem:$0x3FB7];
	_ =	sdelay $0x3  }
0x33: {  	p0 =	seq.s32 s10, $0x1;
	s10 =	sld [smem:$0x3FB9];
	_ =	sdelay $0x3  }
0x34: {  	[smem:$0x3FB9] =	sst s10  }
0x35: {  	s10 =	sld [smem:$0x3FB8];
	_ =	sdelay $0x3  }
0x36: {  	p1 =	seq.s32 s10, $0x1;
	s10 =	sld [smem:$0x3FB9];
	_ =	sdelay $0x3  }
0x37: {  	[smem:$0x3FB9] =	sst s10  }
0x38: {  	s10 =	sld [smem:$0x3FBA]  }
0x39: {  	_ = 	snop;
	(pc) =	sbr.ind lr, $3  }
0x3a: {  	_ = 	snop  }
0x3b: {  	_ = 	snop  }
0x3c: {  	p2 =	seq.s32 s10, $0x1;
	s10 =	sld [smem:$0x3FB9]  }
0x3d: {  	_ =	shalt  }
0x3e: {  	_ =	shalt  }
0x3f: {  	_ =	shalt  }
0x40: {  	_ =	shalt  }
0x41: {  	_ =	shalt  }
0x42: {  	_ =	shalt  }
0x43: {  	_ =	shalt  }
0x44: {  	_ =	shalt  }
0x45: {  	_ =	shalt  }
0x46: {  	_ =	shalt  }
0x47: {  	_ =	shalt  }
0x48: {  	_ =	shalt  }
0x49: {  	_ =	shalt  }
0x4a: {  	_ =	shalt  }
0x4b: {  	_ =	shalt  }
0x4c: {  	_ =	shalt  }
0x4d: {  	_ =	shalt  }
0x4e: {  	_ =	shalt  }
0x4f: {  	_ =	shalt  }
0x50: {  	_ =	shalt  }
0x51: {  	_ =	shalt  }
0x52: {  	_ =	shalt  }
0x53: {  	_ =	shalt  }
0x54: {  	_ =	shalt  }
0x55: {  	_ =	shalt  }
0x56: {  	_ =	shalt  }
0x57: {  	_ =	shalt  }
0x58: {  	_ =	shalt  }
0x59: {  	_ =	shalt  }
0x5a: {  	_ =	shalt  }
0x5b: {  	_ =	shalt  }
0x5c: {  	_ =	shalt  }
0x5d: {  	_ =	shalt  }
0x5e: {  	_ =	shalt  }
0x5f: {  	_ =	shalt  }
0x60: {  	_ =	shalt  }
0x61: {  	_ =	shalt  }
0x62: {  	_ =	shalt  }
0x63: {  	_ =	shalt  }
0x64: {  	_ =	shalt  }
0x65: {  	_ =	shalt  }
0x66: {  	_ =	shalt  }
0x67: {  	_ =	shalt  }
0x68: {  	_ =	shalt  }
0x69: {  	_ =	shalt  }
0x6a: {  	_ =	shalt  }
0x6b: {  	_ =	shalt  }
0x6c: {  	_ =	shalt  }
0x6d: {  	_ =	shalt  }
0x6e: {  	_ =	shalt  }
0x6f: {  	_ =	shalt  }
0x70: {  	_ =	shalt  }
0x71: {  	_ =	shalt  }
0x72: {  	_ =	shalt  }
0x73: {  	_ =	shalt  }
0x74: {  	_ =	shalt  }
0x75: {  	_ =	shalt  }
0x76: {  	_ =	shalt  }
0x77: {  	_ =	shalt  }
0x78: {  	_ =	shalt  }
0x79: {  	_ =	shalt  }
0x7a: {  	_ =	shalt  }
0x7b: {  	_ =	shalt  }
0x7c: {  	_ =	shalt  }
0x7d: {  	_ =	shalt  }
0x7e: {  	_ =	shalt  }
0x7f: {  	_ =	shalt  }
0x80: {  	_ =	shalt  }
0x81: {  	_ =	shalt  }
0x82: {  	_ =	shalt  }
0x83: {  	_ =	shalt  }
0x84: {  	_ =	shalt  }
0x85: {  	_ =	shalt  }
0x86: {  	_ =	shalt  }
0x87: {  	_ =	shalt  }
.Lfunc_end0:
.L_simem_size_0:
called_computation_lowered:
.L_overlay_start_0:
0x88: {  	s2 =	sld [smem:$0x3FD9]  }
0x89: {  	s3 =	sld [smem:$0x3FFE];
	_ =	sdelay $0x1  }
0x8a: {  	s1 =	srdreg.scid  }
0x8b: {  	s0 =	sand.u32 $0x1, s1  }
0x8c: {  	s17 =	sshll.u32 s0, $0xA;
	s2 =	sadd.s32 s3, s2  }
0x8d: {  	s2 =	sadd.s32 s2, s17  }
0x8e: {  	[smem:$0x3FC5] =	sst s2  }
0x8f: {  	_ = 	snop  }
0x90: {  	s2 =	sld [smem:$0x3FC8]  }
0x91: {  	s18 =	sld [smem:$0x3FC7];
	(tm) =	ssettm $0x1  }
0x92: {  	s4 =	sld [smem:$0x3FFB];
	_ =	sdelay $0x3  }
0x93: {  	_ =	strace s4  }
0x94: {  	s4 =	sld [smem:$0x3FFC];
	_ =	sdelay $0x3  }
0x95: {  	_ =	strace s4  }
0x96: {  	s4 =	sld [smem:$0x3FFD];
	_ =	sdelay $0x3  }
0x97: {  	_ =	strace s4  }
0x98: {  	_ =	strace $0x8FFFFFFF  }
0x99: {  	s19 =	sld [smem:$0x3FDB];
	_ =	sdelay $0x1  }
0x9a: {  	s5 =	simm.s32 $_scs_section_size  }
0x9b: {  	s6 =	simm.s32 $_size__tile_overlayer_lowered;
	s7 =	simm.s32 $_tile_overlayer_lowered  }
0x9c: {  	s22 =	simm.s32 $0x1BFF;
	s21 =	sshll.u32 s7, $0x1;
	s4 =	sadd.s32 s5, s19  }
0x9d: {  	s8 =	simm.s32 $0x0;
	s20 =	sshll.u32 s6, $0x1;
	s6 =	sadd.s32 s21, s4  }
0x9e: {  	[timem:s8], [sflag:s22] =	dma.local [hbm:s6], s20  }
0x9f: {  	_ =	swait.ge [sflag:s22], s20  }
0xa0: {  	s5 =	ssub.s32 $0x0, s20;
	[sflag:s22] =	ssyncset.done $0x0  }
0xa1: {  	[sflag:s22] =	ssyncadd.s32 s5;
	_ =	sdelay $0x1  }
0xa2: {  	s23 =	simm.s32 $0x1B8B  }
0xa3: {  	_ =	swait.ge [sflag:s23], $0x1  }
0xa4: {  	[sflag:s23] =	ssyncset.done $0x0  }
0xa5: {  	s25 =	simm.s32 $0x1B8E;
	s24 =	sld [smem:$0x3FFE];
	[sflag:s23] =	ssyncadd.s32 $0xFFFFFFFF  }
0xa6: {  	s26 =	simm.s32 $execute0_lowered;
	[smem:$0x3FD2] =	sst s25  }
0xa7: {  	s6 =	sshll.u32 s26, $0x1;
	_ =	strace $0x80000046;
	[dreg:$0x1] =	wrdreg $0xFFFFFFFF  }
0xa8: {  	s28 =	simm.s32 $_size_execute0_lowered;
	s4 =	sadd.s32 s4, s6;
	[dreg:$0x0] =	wrdreg $0x0  }
0xa9: {  	s6 =	sshll.u32 s28, $0x1;
	[dreg:$0x2] =	wrdreg s4  }
0xaa: {  	[dreg:$0x3] =	wrdreg s6  }
0xab: {  	[dreg:$0x4] =	wrdreg $0xC0  }
0xac: {  	_ =	task [dreg:s8], $0x5FFFF  }
0xad: {  	[dreg:$0x1] =	wrdreg $0xFFFFFFFF  }
0xae: {  	[dreg:$0x0] =	wrdreg $0x60  }
0xaf: {  	[dreg:$0x2] =	wrdreg s2  }
0xb0: {  	[dreg:$0x3] =	wrdreg s18  }
0xb1: {  	[dreg:$0x4] =	wrdreg s24  }
0xb2: {  	[dreg:$0x5] =	wrdreg $0x9  }
0xb3: {  	_ =	task.clear_ibuf [dreg:s8], $0x6FFFF;
	_ =	strace $0x90000046  }
0xb4: {  	s29 =	simm.s32 $0x9;
	_ =	strace $0x80000048  }
0xb5: {  	_ =	swait.ge [sflag:s29], $0x1  }
0xb6: {  	[sflag:s29] =	ssyncadd.s32 $0xFFFFFFFF  }
0xb7: {  	_ =	strace $0x90000048  }
0xb8: {  	_ =	sfence  }
0xb9: {  	s30 =	sld [smem:$0x0];
	_ =	sdelay $0x2  }
0xba: {  	s31 =	sshll.u32 s1, $0xD;
	s1 =	sshrl.u32 s1, $0x2  }
0xbb: {  	s3 =	sand.u32 $0x4000, s31;
	s1 =	sadd.s32 s1, s30  }
0xbc: {  	s0 =	sor.u32 s3, s0;
	s1 =	sshll.u32 s1, $0x11  }
0xbd: {  	s0 =	sor.u32 s1, s0  }
0xbe: {  	s0 =	sadd.s32 $0x8F2B, s0  }
0xbf: {  	[sflag:s0] =	ssyncadd.remote.s32 $0x1  }
0xc0: {  	_ =	sfence.sel $0xFFFF  }
0xc1: {  	[dreg:$0x0] =	wrdreg $0xFFFFFFFF;
	(pc) =	sbr.abs _section_cstart, $3  }
0xc2: {  	[dreg:$0x1] =	wrdreg $0xFFFFFFFF  }
0xc3: {  	_ =	task.clear_ibuf [dreg:s8], $0x2FFFF;
	_ =	strace $0x9FFFFFFF  }
0xc4: {  	(tm) =	ssettm $0x7FFFFFFF  }
0xc5: {  	_ =	shalt  }
tec
execute0_lowered:
.L_overlay_start_1:
0x0: {  	(tag) =	ssettag $0x1  }
0x1: {  	s1 =	rddreg [dreg:$0x0]  }
0x2: {  	s3 =	rddreg [dreg:$0x1]  }
0x3: {  	s5 =	rddreg [dreg:$0x2]  }
0x4: {  	s0 =	rddreg [dreg:$0x3];
	s6 =	srdreg.scid  }
0x5: {  	s2 =	stileid.u32;
	s4 =	simm.s32 $0x0;
	s10 =	simm.s32 $0x40  }
0x6: {  	s11 =	simm.s32 $0x200;
	s12 =	simm.s32 $0x80;
	s13 =	simm.s32 $0x4200  }
0x7: {  	s14 =	simm.s32 $0x100;
	s15 =	simm.s32 $0x8200;
	s16 =	simm.s32 $0x2200  }
0x8: {  	s17 =	simm.s32 $0xC0;
	s18 =	simm.s32 $0x6200;
	s19 =	simm.s32 $0x140  }
0x9: {  	s20 =	simm.s32 $0xA200;
	s21 =	simm.s32 $0x1;
	s22 =	simm.s32 $0xC200  }
0xa: {  	s23 =	simm.s32 $0x2;
	s24 =	simm.s32 $0xE200;
	s25 =	simm.s32 $0x3  }
0xb: {  	s6 =	sand.u32 $0x1, s6;
	s7 =	sshll.u32 s2, $0x1;
	[smem:$0x7FF] =	sst s4  }
0xc: {  	s26 =	simm.s32 $0x0;
	s7 =	sor.u32 s6, s7;
	_ =	strace $0x80000047  }
0xd: {  	s6 =	ssub.s32 $0x2, s6;
	s8 =	sshll.u32 s7, $0x6;
	s7 =	sshll.u32 s7, $0xB  }
0xe: {  	s9 =	sshrl.u32 s6, $0x1;
	s8 =	sadd.s32 s8, s5;
	s7 =	sadd.s32 s7, s5  }
0xf: {  	s9 =	ssub.s32 s6, s9;
	s5 =	sadd.s32 $0x600, s8;
	s6 =	sadd.s32 $0xE00, s7  }
0x10: {  	s7 =	sadd.s32 $0x1200, s7;
	s8 =	smax.u32 s9, $0x1;
	s9 =	simm.s32 $0x4  }
.LBB2_1:
0x11: {  	[tilespmem:s4], [sflag:$0x4] =	stream.linear.gather [hbm4b:s5+s4], $0x180, $0x38;
	[tilespmem:$0x10200] =	vst v63  }
0x12: {  	_ =	swait.ge [sflag:s9], $0x180  }
0x13: {  	[sflag:s9] =	ssyncset.done $0x0  }
0x14: {  	[sflag:s9] =	ssyncadd.s32 $0xFFFFFE80  }
0x15: {  	[tilespmem:s11], [sflag:$0x1] =	stream.indirect.gather [hbm4b:s1+s10], $0x80, s4, s10, $0xb8;
	[tilespmem:$0x10200] =	vst v63  }
0x16: {  	_ = 	snop  }
0x17: {  	[tilespmem:s13], [sflag:$0x1] =	stream.indirect.gather [hbm4b:s1+s10], $0x80, s12, s10, $0xb8;
	[tilespmem:$0x10200] =	vst v63  }
0x18: {  	_ = 	snop  }
0x19: {  	[tilespmem:s15], [sflag:$0x1] =	stream.indirect.gather [hbm4b:s3+s10], $0x80, s14, s10, $0xb8;
	[tilespmem:$0x10200] =	vst v63  }
0x1a: {  	_ = 	snop  }
0x1b: {  	[tilespmem:s16], [sflag:$0x2] =	stream.indirect.gather [hbm4b:s1+s10], $0x80, s10, s10, $0xb8;
	[tilespmem:$0x10200] =	vst v63  }
0x1c: {  	_ = 	snop  }
0x1d: {  	[tilespmem:s18], [sflag:$0x2] =	stream.indirect.gather [hbm4b:s1+s10], $0x80, s17, s10, $0xb8;
	[tilespmem:$0x10200] =	vst v63  }
0x1e: {  	_ = 	snop  }
0x1f: {  	[tilespmem:s20], [sflag:$0x2] =	stream.indirect.gather [hbm4b:s3+s10], $0x80, s19, s10, $0xb8;
	[tilespmem:$0x10200] =	vst v63  }
0x20: {  	_ =	swait.ge [sflag:s21], $0x2000  }
0x21: {  	[sflag:s21] =	ssyncset.done $0x0  }
0x22: {  	[sflag:s21] =	ssyncadd.s32 $0xFFFFE000  }
0x23: {  	_ =	swait.ge [sflag:s21], $0x2000  }
0x24: {  	[sflag:s21] =	ssyncset.done $0x0  }
0x25: {  	[sflag:s21] =	ssyncadd.s32 $0xFFFFE000  }
0x26: {  	_ =	swait.ge [sflag:s21], $0x2000  }
0x27: {  	[sflag:s21] =	ssyncset.done $0x0  }
0x28: {  	s28 =	simm.s32 $0x0;
	[sflag:s21] =	ssyncadd.s32 $0xFFFFE000  }
0x29: {  	v0 =	vld [tilespmem:s28+$0x8270]  }
0x2a: {  	v1 =	vld [tilespmem:s28+$0x8240];
	_ =	sdelay $0x3  }
0x2b: {  	v2 =	vmul.f32 v0, v0  }
0x2c: {  	v3 =	vmul.f32 v1, v1  }
0x2d: {  	v4 =	vmul.f32 $2.480158760e-05, v2  }
0x2e: {  	v5 =	vmul.f32 $2.480158760e-05, v3  }
0x2f: {  	v4 =	vadd.f32 $-1.388888920e-03, v4  }
0x30: {  	v6 =	vmul.f32 $1.984127010e-04, v2;
	v7 =	vmul.f32 $1.984127010e-04, v3;
	v5 =	vadd.f32 $-1.388888920e-03, v5  }
0x31: {  	v13 =	vld [tilespmem:s28+$0x8260];
	v4 =	vmul.f32 v4, v2  }
0x32: {  	v8 =	vld [tilespmem:s28+$0x8250];
	v6 =	vsub.f32 $8.333333770e-03, v6;
	v7 =	vsub.f32 $8.333333770e-03, v7;
	v5 =	vmul.f32 v5, v3  }
0x33: {  	v4 =	vadd.f32 $4.166666790e-02, v4  }
0x34: {  	v6 =	vmul.f32 v6, v2;
	v7 =	vmul.f32 v7, v3;
	v5 =	vadd.f32 $4.166666790e-02, v5  }
0x35: {  	v4 =	vmul.f32 v4, v2  }
0x36: {  	v6 =	vadd.f32 $-1.666666720e-01, v6;
	v7 =	vadd.f32 $-1.666666720e-01, v7;
	v5 =	vmul.f32 v5, v3  }
0x37: {  	v9 =	vld [tilespmem:s28+$0x230];
	v14 =	vmul.f32 v13, v13;
	v10 =	vmul.f32 v8, v8;
	v4 =	vadd.f32 $-5.000000000e-01, v4  }
0x38: {  	v11 =	vld [tilespmem:s28+$0x200];
	v6 =	vmul.f32 v6, v2;
	v7 =	vmul.f32 v7, v3;
	v5 =	vadd.f32 $-5.000000000e-01, v5  }
0x39: {  	v12 =	vmul.f32 $1.984127010e-04, v14;
	v2 =	vmul.f32 v4, v2;
	v4 =	vld [tilespmem:s28+$0x270]  }
0x3a: {  	v6 =	vadd.f32 $1.000000000e+00, v6;
	v7 =	vadd.f32 $1.000000000e+00, v7;
	v3 =	vmul.f32 v5, v3;
	v5 =	vld [tilespmem:s28+$0x240]  }
0x3b: {  	v16 =	vmul.f32 $1.984127010e-04, v10;
	v19 =	vmul.f32 $2.480158760e-05, v10;
	v2 =	vadd.f32 $1.000000000e+00, v2  }
0x3c: {  	v0 =	vmul.f32 v6, v0;
	v1 =	vmul.f32 v7, v1;
	v3 =	vadd.f32 $1.000000000e+00, v3  }
0x3d: {  	v6 =	vmul.f32 $2.480158760e-05, v14;
	v7 =	vmul.f32 v2, v9  }
0x3e: {  	v15 =	vld [tilespmem:s28+$0x4230];
	v16 =	vsub.f32 $8.333333770e-03, v16;
	v18 =	vmul.f32 v3, v11;
	v9 =	vmul.f32 v0, v9  }
0x3f: {  	s29 =	simm.s32 $0x80;
	v21 =	vld [tilespmem:s28+$0x4240];
	v17 =	vmul.f32 v0, v4;
	v22 =	vmul.f32 v1, v5  }
0x40: {  	v12 =	vsub.f32 $8.333333770e-03, v12;
	v1 =	vmul.f32 v1, v11;
	v11 =	vmul.f32 v16, v10;
	v16 =	vld [tilespmem:s29+$0x8270]  }
0x41: {  	v6 =	vadd.f32 $-1.388888920e-03, v6;
	v3 =	vmul.f32 v3, v5;
	v2 =	vmul.f32 v2, v4;
	v0 =	vld [tilespmem:s29+$0x8260]  }
0x42: {  	v20 =	vld [tilespmem:s28+$0x4200];
	v5 =	vadd.f32 $-1.388888920e-03, v19;
	v7 =	vsub.f32 v7, v17  }
0x43: {  	v1 =	vadd.f32 v3, v1;
	v9 =	vadd.f32 v2, v9  }
0x44: {  	v7 =	vsub.f32 v7, v15;
	v15 =	vsub.f32 v18, v22  }
0x45: {  	v17 =	vld [tilespmem:s29+$0x8240];
	v18 =	vmul.f32 v5, v10;
	v5 =	vadd.f32 $-1.666666720e-01, v11;
	v11 =	vmul.f32 v12, v14  }
0x46: {  	v1 =	vsub.f32 v1, v21;
	v19 =	vmul.f32 v16, v16;
	v2 =	vmul.f32 v0, v0  }
0x47: {  	v4 =	vmul.f32 v7, v7;
	v3 =	vsub.f32 v15, v20;
	v15 =	vmul.f32 v6, v14  }
0x48: {  	v1 =	vmul.f32 v1, v1;
	v5 =	vmul.f32 v5, v10  }
0x49: {  	v11 =	vadd.f32 $-1.666666720e-01, v11;
	v18 =	vadd.f32 $4.166666790e-02, v18;
	v3 =	vmul.f32 v3, v3  }
0x4a: {  	v6 =	vld [tilespmem:s28+$0x4270];
	v20 =	vmul.f32 v17, v17;
	v22 =	vmul.f32 $1.984127010e-04, v19;
	v5 =	vadd.f32 $1.000000000e+00, v5  }
0x4b: {  	v11 =	vmul.f32 v11, v14;
	v12 =	vadd.f32 v1, v3;
	v1 =	vmul.f32 $2.480158760e-05, v19  }
0x4c: {  	v7 =	vld [tilespmem:s28+$0x250];
	v15 =	vadd.f32 $4.166666790e-02, v15;
	v21 =	vmul.f32 v5, v8;
	v5 =	vmul.f32 $2.480158760e-05, v20  }
0x4d: {  	v18 =	vmul.f32 v18, v10;
	v23 =	vmul.f32 $1.984127010e-04, v20;
	v22 =	vsub.f32 $8.333333770e-03, v22  }
0x4e: {  	v27 =	vld [tilespmem:s28+$0x220];
	v15 =	vmul.f32 v15, v14;
	v1 =	vadd.f32 $-1.388888920e-03, v1;
	v5 =	vadd.f32 $-1.388888920e-03, v5  }
0x4f: {  	v28 =	vadd.f32 $1.000000000e+00, v11;
	v6 =	vsub.f32 v9, v6;
	v22 =	vmul.f32 v22, v19  }
0x50: {  	v23 =	vsub.f32 $8.333333770e-03, v23;
	v24 =	vmul.f32 v1, v19;
	v25 =	vmul.f32 v5, v20  }
0x51: {  	v3 =	vld [tilespmem:s29+$0x8250];
	v9 =	vmul.f32 v21, v7;
	v15 =	vadd.f32 $-5.000000000e-01, v15;
	v13 =	vmul.f32 v28, v13  }
0x52: {  	v23 =	vmul.f32 v23, v20;
	v1 =	vld [tilespmem:s29+$0x4270];
	[tilespmem:s28+$0xC200] =	vst v12;
	v12 =	vadd.f32 $4.166666790e-02, v24;
	v24 =	vadd.f32 $4.166666790e-02, v25  }
0x53: {  	v30 =	vmul.f32 v13, v27;
	v14 =	vmul.f32 v15, v14  }
0x54: {  	v26 =	vld [tilespmem:s28+$0x260];
	v15 =	vmul.f32 $2.480158760e-05, v2;
	v24 =	vmul.f32 v24, v20  }
0x55: {  	v22 =	vadd.f32 $-1.666666720e-01, v22;
	v28 =	vld [tilespmem:s29+$0x230];
	v25 =	vmul.f32 $1.984127010e-04, v2;
	v12 =	vmul.f32 v12, v19  }
0x56: {  	v5 =	vmul.f32 v3, v3;
	v23 =	vadd.f32 $-1.666666720e-01, v23;
	v29 =	vld [tilespmem:s29+$0x200];
	v24 =	vadd.f32 $-5.000000000e-01, v24  }
0x57: {  	v22 =	vmul.f32 v22, v19;
	v11 =	vsub.f32 $8.333333770e-03, v25;
	v25 =	vadd.f32 $-5.000000000e-01, v12;
	v12 =	vld [tilespmem:s28+$0x210]  }
0x58: {  	v14 =	vadd.f32 $1.000000000e+00, v14;
	v23 =	vmul.f32 v23, v20;
	v20 =	vmul.f32 v24, v20;
	v24 =	vld [tilespmem:s29+$0x270]  }
0x59: {  	v22 =	vadd.f32 $1.000000000e+00, v22;
	v19 =	vmul.f32 v25, v19;
	v25 =	vmul.f32 v13, v26;
	v13 =	vld [tilespmem:s29+$0x240]  }
0x5a: {  	v32 =	vmul.f32 $1.984127010e-04, v5;
	v35 =	vmul.f32 $2.480158760e-05, v5;
	v23 =	vadd.f32 $1.000000000e+00, v23  }
0x5b: {  	v16 =	vmul.f32 v22, v16;
	v22 =	vadd.f32 $-5.000000000e-01, v18;
	v31 =	vadd.f32 $1.000000000e+00, v19  }
0x5c: {  	v33 =	vld [tilespmem:s29+$0x4230];
	v17 =	vmul.f32 v23, v17;
	v19 =	vadd.f32 $1.000000000e+00, v20;
	v18 =	vmul.f32 v21, v12  }
0x5d: {  	v34 =	vadd.f32 $-1.388888920e-03, v15;
	v20 =	vmul.f32 v31, v28;
	v15 =	vmul.f32 v16, v24  }
0x5e: {  	v32 =	vsub.f32 $8.333333770e-03, v32;
	v23 =	vmul.f32 v19, v29;
	v21 =	vmul.f32 v17, v13  }
0x5f: {  	v36 =	vld [tilespmem:s29+$0x4200];
	v13 =	vmul.f32 v19, v13;
	v17 =	vmul.f32 v17, v29;
	v15 =	vsub.f32 v20, v15  }
0x60: {  	v37 =	vld [tilespmem:s29+$0x4240];
	v29 =	vadd.f32 $-1.388888920e-03, v35;
	v20 =	vmul.f32 v22, v10;
	v22 =	vmul.f32 v14, v27  }
0x61: {  	v19 =	vmul.f32 v32, v5;
	v23 =	vsub.f32 v23, v21;
	v21 =	vld [tilespmem:s28+$0x4260];
	v27 =	vsub.f32 v15, v33  }
0x62: {  	v16 =	vmul.f32 v16, v28;
	v15 =	vmul.f32 v31, v24;
	v22 =	vsub.f32 v22, v25;
	v24 =	vld [tilespmem:s28+$0x4220]  }
0x63: {  	v8 =	vld [tilespmem:s28+$0x4210];
	v25 =	vadd.f32 v13, v17;
	v13 =	vmul.f32 v27, v27;
	v27 =	vmul.f32 v14, v26  }
0x64: {  	v10 =	vld [tilespmem:s29+$0x4210];
	v17 =	vmul.f32 v34, v2;
	v26 =	vsub.f32 v23, v36;
	v23 =	vadd.f32 $1.000000000e+00, v20  }
0x65: {  	s30 =	simm.s32 $0x400;
	v25 =	vsub.f32 v25, v37;
	v14 =	vmul.f32 v29, v5;
	v20 =	vld [tilespmem:s28+$0x4250];
	v27 =	vadd.f32 v27, v30  }
.LBB2_2:
0x66: {  	s31 =	sshra.s32 s30, $0x2;
	p0 =	sne.s32 s30, $0x7E00;
	s30 =	sadd.s32 $0x200, s30;
	v26 =	vmul.f32 v26, v26;
	v19 =	vadd.f32 $-1.666666720e-01, v19;
	v28 =	vmul.f32 v23, v7;
	v7 =	vld [tilespmem:s29+$0x250]  }
0x67: {  	v29 =	vld [tilespmem:s31+$0x8270];
	v25 =	vmul.f32 v25, v25;
	v22 =	vsub.f32 v22, v24;
	v21 =	vsub.f32 v27, v21  }
0x68: {  	v15 =	vadd.f32 v15, v16;
	v24 =	vld [tilespmem:s31+$0x8260];
	v19 =	vmul.f32 v19, v5;
	v16 =	vadd.f32 v28, v18  }
0x69: {  	v11 =	vmul.f32 v11, v2;
	v18 =	vld [tilespmem:s31+$0x8240];
	v25 =	vadd.f32 v25, v26;
	v21 =	vmul.f32 v21, v21  }
0x6a: {  	v12 =	vmul.f32 v23, v12;
	v22 =	vmul.f32 v22, v22;
	v26 =	vld [tilespmem:s31+$0x8250];
	v19 =	vadd.f32 $1.000000000e+00, v19  }
0x6b: {  	v23 =	vmul.f32 v6, v6;
	v11 =	vadd.f32 $-1.666666720e-01, v11;
	v6 =	vsub.f32 v15, v1;
	[tilespmem:s29+$0xC200] =	vst v25;
	v1 =	vld [tilespmem:s31+$0x4270]  }
0x6c: {  	v9 =	vsub.f32 v12, v9;
	v12 =	vadd.f32 v21, v22;
	v15 =	vld [tilespmem:s31+$0x4210];
	v25 =	vmul.f32 v29, v29  }
0x6d: {  	v11 =	vmul.f32 v11, v2;
	v16 =	vsub.f32 v16, v20;
	v21 =	vmul.f32 v24, v24  }
0x6e: {  	v22 =	vsub.f32 v9, v8;
	v19 =	vmul.f32 v19, v3;
	v20 =	vmul.f32 v18, v18;
	[tilespmem:s28+$0xC220] =	vst v12  }
0x6f: {  	v23 =	vadd.f32 v23, v4;
	v8 =	vmovc v10;
	v16 =	vmul.f32 v16, v16;
	v12 =	vmul.f32 $2.480158760e-05, v25;
	v3 =	vmovc v26  }
0x70: {  	v17 =	vadd.f32 $4.166666790e-02, v17;
	v4 =	vmovc v13;
	v9 =	vmul.f32 v19, v7;
	v27 =	vmul.f32 $2.480158760e-05, v20  }
0x71: {  	v22 =	vmul.f32 v22, v22;
	v13 =	vmul.f32 $1.984127010e-04, v25;
	v12 =	vadd.f32 $-1.388888920e-03, v12;
	[tilespmem:s28+$0xC230] =	vst v23;
	v10 =	vmovc v15  }
0x72: {  	v17 =	vmul.f32 v17, v2;
	v23 =	vmul.f32 $1.984127010e-04, v20;
	v15 =	vadd.f32 $-1.388888920e-03, v27  }
0x73: {  	v16 =	vadd.f32 v16, v22;
	v13 =	vsub.f32 $8.333333770e-03, v13;
	v12 =	vmul.f32 v12, v25  }
0x74: {  	v22 =	vsub.f32 $8.333333770e-03, v23;
	v23 =	vmul.f32 v26, v3;
	v15 =	vmul.f32 v15, v20  }
0x75: {  	v17 =	vadd.f32 $-5.000000000e-01, v17;
	v13 =	vmul.f32 v13, v25;
	v12 =	vadd.f32 $4.166666790e-02, v12;
	[tilespmem:s28+$0xC210] =	vst v16;
	s28 =	smov.u32 s29;
	s29 =	smov.u32 s31  }
0x76: {  	v16 =	vmul.f32 v22, v20;
	v22 =	vmul.f32 $1.984127010e-04, v21;
	v15 =	vadd.f32 $4.166666790e-02, v15;
	v26 =	vld [tilespmem:s28+$0x260]  }
0x77: {  	v28 =	vadd.f32 $1.000000000e+00, v11;
	v13 =	vadd.f32 $-1.666666720e-01, v13;
	v12 =	vmul.f32 v12, v25;
	v27 =	vld [tilespmem:s28+$0x220]  }
0x78: {  	v16 =	vadd.f32 $-1.666666720e-01, v16;
	v11 =	vsub.f32 $8.333333770e-03, v22;
	v15 =	vmul.f32 v15, v20  }
0x79: {  	v28 =	vmul.f32 v28, v0;
	v0 =	vmovc v24;
	v13 =	vmul.f32 v13, v25;
	v22 =	vadd.f32 $-5.000000000e-01, v12;
	v12 =	vld [tilespmem:s28+$0x210]  }
0x7a: {  	v14 =	vadd.f32 $4.166666790e-02, v14;
	v16 =	vmul.f32 v16, v20;
	v15 =	vadd.f32 $-5.000000000e-01, v15;
	v24 =	vld [tilespmem:s29+$0x230]  }
0x7b: {  	v13 =	vadd.f32 $1.000000000e+00, v13;
	v22 =	vmul.f32 v22, v25;
	v30 =	vld [tilespmem:s29+$0x200];
	v25 =	vmul.f32 v28, v26  }
0x7c: {  	v16 =	vadd.f32 $1.000000000e+00, v16;
	v15 =	vmul.f32 v15, v20;
	v20 =	vld [tilespmem:s29+$0x270];
	v28 =	vmul.f32 v28, v27  }
0x7d: {  	v14 =	vmul.f32 v14, v5;
	v13 =	vmul.f32 v13, v29;
	v22 =	vadd.f32 $1.000000000e+00, v22;
	v31 =	vld [tilespmem:s29+$0x240]  }
0x7e: {  	v17 =	vmul.f32 v17, v2;
	v2 =	vmovc v21;
	v16 =	vmul.f32 v16, v18;
	v15 =	vadd.f32 $1.000000000e+00, v15  }
0x7f: {  	v14 =	vadd.f32 $-5.000000000e-01, v14;
	v18 =	vmul.f32 $2.480158760e-05, v2;
	v21 =	vmul.f32 v22, v24  }
0x80: {  	v17 =	vadd.f32 $1.000000000e+00, v17;
	v32 =	vmul.f32 $1.984127010e-04, v23;
	v29 =	vmul.f32 v15, v30;
	v33 =	vld [tilespmem:s29+$0x4230]  }
0x81: {  	v35 =	vadd.f32 $-1.388888920e-03, v18;
	v18 =	vmul.f32 v19, v12;
	v34 =	vld [tilespmem:s29+$0x4240];
	v36 =	vmul.f32 v13, v20  }
0x82: {  	v32 =	vsub.f32 $8.333333770e-03, v32;
	v19 =	vmul.f32 $2.480158760e-05, v23;
	v37 =	vmul.f32 v16, v31  }
0x83: {  	v14 =	vmul.f32 v14, v5;
	v5 =	vmovc v23;
	v31 =	vmul.f32 v15, v31;
	v38 =	vld [tilespmem:s29+$0x4200];
	v15 =	vsub.f32 v21, v36  }
0x84: {  	v27 =	vmul.f32 v17, v27;
	v23 =	vmul.f32 v16, v30;
	v30 =	vadd.f32 $-1.388888920e-03, v19  }
.Ltmp0:
0x85: {  	v19 =	vmul.f32 v32, v5;
	v32 =	vsub.f32 v15, v33;
	v15 =	vmul.f32 v22, v20;
	v21 =	vld [tilespmem:s28+$0x4260];
	(pc) =	sbr.rel @p0 .LBB2_2-.Ltmp0, $4  }
0x86: {  	v16 =	vmul.f32 v13, v24;
	v20 =	vsub.f32 v29, v37;
	v22 =	vsub.f32 v27, v25;
	v24 =	vld [tilespmem:s28+$0x4220]  }
0x87: {  	v25 =	vadd.f32 v31, v23;
	v27 =	vmul.f32 v17, v26;
	v13 =	vmul.f32 v32, v32  }
0x88: {  	v17 =	vmul.f32 v35, v2;
	v23 =	vadd.f32 $1.000000000e+00, v14;
	v26 =	vsub.f32 v20, v38  }
0x89: {  	v14 =	vmul.f32 v30, v5;
	v25 =	vsub.f32 v25, v34;
	v27 =	vadd.f32 v27, v28;
	v20 =	vld [tilespmem:s28+$0x4250]  }
0x8a: {  	v7 =	vmul.f32 v23, v7;
	v12 =	vmul.f32 v23, v12  }
0x8b: {  	v22 =	vsub.f32 v22, v24;
	v21 =	vsub.f32 v27, v21  }
0x8c: {  	v23 =	vmul.f32 v26, v26;
	v7 =	vadd.f32 v7, v18;
	v9 =	vsub.f32 v12, v9  }
0x8d: {  	v12 =	vmul.f32 v25, v25;
	v18 =	vmul.f32 v21, v21  }
0x8e: {  	v21 =	vmul.f32 v22, v22;
	v7 =	vsub.f32 v7, v20;
	v8 =	vsub.f32 v9, v8  }
0x8f: {  	v11 =	vmul.f32 v11, v2;
	v6 =	vmul.f32 v6, v6;
	v9 =	vadd.f32 v12, v23  }
0x90: {  	v18 =	vadd.f32 v18, v21;
	v7 =	vmul.f32 v7, v7;
	v8 =	vmul.f32 v8, v8  }
0x91: {  	v4 =	vadd.f32 v6, v4;
	v6 =	vadd.f32 $4.166666790e-02, v17;
	[tilespmem:s29+$0xC200] =	vst v9  }
0x92: {  	v12 =	vld [tilespmem:s29+$0x250];
	v9 =	vadd.f32 $-1.666666720e-01, v11;
	[tilespmem:s28+$0xC220] =	vst v18;
	v7 =	vadd.f32 v7, v8  }
0x93: {  	v6 =	vmul.f32 v6, v2;
	[tilespmem:s28+$0xC230] =	vst v4  }
0x94: {  	v4 =	vadd.f32 $-1.666666720e-01, v19;
	v8 =	vmul.f32 v9, v2;
	v9 =	vadd.f32 $4.166666790e-02, v14;
	[tilespmem:s28+$0xC210] =	vst v7  }
0x95: {  	v6 =	vadd.f32 $-5.000000000e-01, v6;
	v7 =	vld [tilespmem:s29+$0x260]  }
0x96: {  	v4 =	vmul.f32 v4, v5;
	v8 =	vadd.f32 $1.000000000e+00, v8;
	v9 =	vmul.f32 v9, v5;
	v11 =	vld [tilespmem:s29+$0x220]  }
0x97: {  	v2 =	vmul.f32 v6, v2  }
0x98: {  	v4 =	vadd.f32 $1.000000000e+00, v4;
	v0 =	vmul.f32 v8, v0;
	v8 =	vadd.f32 $-5.000000000e-01, v9  }
0x99: {  	v6 =	vld [tilespmem:s29+$0x210]  }
0x9a: {  	v2 =	vadd.f32 $1.000000000e+00, v2;
	v9 =	vld [tilespmem:s29+$0x4260];
	v3 =	vmul.f32 v4, v3;
	v5 =	vmul.f32 v8, v5  }
0x9b: {  	v8 =	vld [tilespmem:s29+$0x4220];
	v4 =	vmul.f32 v0, v7;
	v0 =	vmul.f32 v0, v11  }
0x9c: {  	v11 =	vmul.f32 v2, v11;
	v2 =	vmul.f32 v2, v7  }
0x9d: {  	v7 =	vmul.f32 v3, v12;
	v5 =	vadd.f32 $1.000000000e+00, v5  }
0x9e: {  	v3 =	vmul.f32 v3, v6;
	v4 =	vsub.f32 v11, v4;
	v11 =	vld [tilespmem:s29+$0x4250];
	v0 =	vadd.f32 v2, v0  }
0x9f: {  	v2 =	vadd.f32 v15, v16;
	v12 =	vmul.f32 v5, v12;
	v5 =	vmul.f32 v5, v6  }
0xa0: {  	v4 =	vsub.f32 v4, v8;
	v0 =	vsub.f32 v0, v9  }
0xa1: {  	v3 =	vadd.f32 v12, v3;
	v5 =	vsub.f32 v5, v7  }
0xa2: {  	v1 =	vsub.f32 v2, v1;
	v0 =	vmul.f32 v0, v0  }
0xa3: {  	v2 =	vmul.f32 v4, v4;
	v4 =	vsub.f32 v5, v10;
	v3 =	vsub.f32 v3, v11  }
0xa4: {  	v1 =	vmul.f32 v1, v1  }
0xa5: {  	v0 =	vadd.f32 v0, v2;
	v2 =	vmul.f32 v3, v3;
	v3 =	vmul.f32 v4, v4  }
0xa6: {  	v1 =	vadd.f32 v1, v13  }
0xa7: {  	[tilespmem:s29+$0xC220] =	vst v0;
	v0 =	vadd.f32 v2, v3  }
0xa8: {  	[tilespmem:s29+$0xC230] =	vst v1  }
0xa9: {  	s28 =	simm.s32 $0x0;
	[tilespmem:s29+$0xC210] =	vst v0  }
0xaa: {  	[hbm4b:s6+s28] =	stream.linear.scatter [tilespmem:s22], [sflag:$0x3], $0x2000, $0x38;
	[tilespmem:$0x10200] =	vst v63  }
0xab: {  	_ =	swait.ge [sflag:s23], $0x2000  }
0xac: {  	[sflag:s23] =	ssyncset.done $0x0  }
0xad: {  	[sflag:s23] =	ssyncadd.s32 $0xFFFFE000  }
0xae: {  	_ =	swait.ge [sflag:s23], $0x2000  }
0xaf: {  	[sflag:s23] =	ssyncset.done $0x0  }
0xb0: {  	[sflag:s23] =	ssyncadd.s32 $0xFFFFE000  }
0xb1: {  	_ =	swait.ge [sflag:s23], $0x2000  }
0xb2: {  	[sflag:s23] =	ssyncset.done $0x0  }
0xb3: {  	s28 =	simm.s32 $0x0;
	[sflag:s23] =	ssyncadd.s32 $0xFFFFE000  }
0xb4: {  	v0 =	vld [tilespmem:s28+$0xA270]  }
0xb5: {  	v1 =	vld [tilespmem:s28+$0xA240];
	_ =	sdelay $0x3  }
0xb6: {  	v2 =	vmul.f32 v0, v0  }
0xb7: {  	v3 =	vmul.f32 v1, v1  }
0xb8: {  	v4 =	vmul.f32 $2.480158760e-05, v2  }
0xb9: {  	v5 =	vmul.f32 $2.480158760e-05, v3  }
0xba: {  	v4 =	vadd.f32 $-1.388888920e-03, v4  }
0xbb: {  	v6 =	vmul.f32 $1.984127010e-04, v2;
	v7 =	vmul.f32 $1.984127010e-04, v3;
	v5 =	vadd.f32 $-1.388888920e-03, v5  }
0xbc: {  	v13 =	vld [tilespmem:s28+$0xA260];
	v4 =	vmul.f32 v4, v2  }
0xbd: {  	v8 =	vld [tilespmem:s28+$0xA250];
	v6 =	vsub.f32 $8.333333770e-03, v6;
	v7 =	vsub.f32 $8.333333770e-03, v7;
	v5 =	vmul.f32 v5, v3  }
0xbe: {  	v4 =	vadd.f32 $4.166666790e-02, v4  }
0xbf: {  	v6 =	vmul.f32 v6, v2;
	v7 =	vmul.f32 v7, v3;
	v5 =	vadd.f32 $4.166666790e-02, v5  }
0xc0: {  	v4 =	vmul.f32 v4, v2  }
0xc1: {  	v6 =	vadd.f32 $-1.666666720e-01, v6;
	v7 =	vadd.f32 $-1.666666720e-01, v7;
	v5 =	vmul.f32 v5, v3  }
0xc2: {  	v9 =	vld [tilespmem:s28+$0x2230];
	v14 =	vmul.f32 v13, v13;
	v10 =	vmul.f32 v8, v8;
	v4 =	vadd.f32 $-5.000000000e-01, v4  }
0xc3: {  	v11 =	vld [tilespmem:s28+$0x2200];
	v6 =	vmul.f32 v6, v2;
	v7 =	vmul.f32 v7, v3;
	v5 =	vadd.f32 $-5.000000000e-01, v5  }
0xc4: {  	v12 =	vmul.f32 $1.984127010e-04, v14;
	v2 =	vmul.f32 v4, v2;
	v4 =	vld [tilespmem:s28+$0x2270]  }
0xc5: {  	v6 =	vadd.f32 $1.000000000e+00, v6;
	v7 =	vadd.f32 $1.000000000e+00, v7;
	v3 =	vmul.f32 v5, v3;
	v5 =	vld [tilespmem:s28+$0x2240]  }
0xc6: {  	v16 =	vmul.f32 $1.984127010e-04, v10;
	v19 =	vmul.f32 $2.480158760e-05, v10;
	v2 =	vadd.f32 $1.000000000e+00, v2  }
0xc7: {  	v0 =	vmul.f32 v6, v0;
	v1 =	vmul.f32 v7, v1;
	v3 =	vadd.f32 $1.000000000e+00, v3  }
0xc8: {  	v6 =	vmul.f32 $2.480158760e-05, v14;
	v7 =	vmul.f32 v2, v9  }
0xc9: {  	v15 =	vld [tilespmem:s28+$0x6230];
	v16 =	vsub.f32 $8.333333770e-03, v16;
	v18 =	vmul.f32 v3, v11;
	v9 =	vmul.f32 v0, v9  }
0xca: {  	s29 =	simm.s32 $0x80;
	v21 =	vld [tilespmem:s28+$0x6240];
	v17 =	vmul.f32 v0, v4;
	v22 =	vmul.f32 v1, v5  }
0xcb: {  	v12 =	vsub.f32 $8.333333770e-03, v12;
	v1 =	vmul.f32 v1, v11;
	v11 =	vmul.f32 v16, v10;
	v16 =	vld [tilespmem:s29+$0xA270]  }
0xcc: {  	v6 =	vadd.f32 $-1.388888920e-03, v6;
	v3 =	vmul.f32 v3, v5;
	v2 =	vmul.f32 v2, v4;
	v0 =	vld [tilespmem:s29+$0xA260]  }
0xcd: {  	v20 =	vld [tilespmem:s28+$0x6200];
	v5 =	vadd.f32 $-1.388888920e-03, v19;
	v7 =	vsub.f32 v7, v17  }
0xce: {  	v1 =	vadd.f32 v3, v1;
	v9 =	vadd.f32 v2, v9  }
0xcf: {  	v7 =	vsub.f32 v7, v15;
	v15 =	vsub.f32 v18, v22  }
0xd0: {  	v17 =	vld [tilespmem:s29+$0xA240];
	v18 =	vmul.f32 v5, v10;
	v5 =	vadd.f32 $-1.666666720e-01, v11;
	v11 =	vmul.f32 v12, v14  }
0xd1: {  	v1 =	vsub.f32 v1, v21;
	v19 =	vmul.f32 v16, v16;
	v2 =	vmul.f32 v0, v0  }
0xd2: {  	v4 =	vmul.f32 v7, v7;
	v3 =	vsub.f32 v15, v20;
	v15 =	vmul.f32 v6, v14  }
0xd3: {  	v1 =	vmul.f32 v1, v1;
	v5 =	vmul.f32 v5, v10  }
0xd4: {  	v11 =	vadd.f32 $-1.666666720e-01, v11;
	v18 =	vadd.f32 $4.166666790e-02, v18;
	v3 =	vmul.f32 v3, v3  }
0xd5: {  	v6 =	vld [tilespmem:s28+$0x6270];
	v20 =	vmul.f32 v17, v17;
	v22 =	vmul.f32 $1.984127010e-04, v19;
	v5 =	vadd.f32 $1.000000000e+00, v5  }
0xd6: {  	v11 =	vmul.f32 v11, v14;
	v12 =	vadd.f32 v1, v3;
	v1 =	vmul.f32 $2.480158760e-05, v19  }
0xd7: {  	v7 =	vld [tilespmem:s28+$0x2250];
	v15 =	vadd.f32 $4.166666790e-02, v15;
	v21 =	vmul.f32 v5, v8;
	v5 =	vmul.f32 $2.480158760e-05, v20  }
0xd8: {  	v18 =	vmul.f32 v18, v10;
	v23 =	vmul.f32 $1.984127010e-04, v20;
	v22 =	vsub.f32 $8.333333770e-03, v22  }
0xd9: {  	v27 =	vld [tilespmem:s28+$0x2220];
	v15 =	vmul.f32 v15, v14;
	v1 =	vadd.f32 $-1.388888920e-03, v1;
	v5 =	vadd.f32 $-1.388888920e-03, v5  }
0xda: {  	v28 =	vadd.f32 $1.000000000e+00, v11;
	v6 =	vsub.f32 v9, v6;
	v22 =	vmul.f32 v22, v19  }
0xdb: {  	v23 =	vsub.f32 $8.333333770e-03, v23;
	v24 =	vmul.f32 v1, v19;
	v25 =	vmul.f32 v5, v20  }
0xdc: {  	v3 =	vld [tilespmem:s29+$0xA250];
	v9 =	vmul.f32 v21, v7;
	v15 =	vadd.f32 $-5.000000000e-01, v15;
	v13 =	vmul.f32 v28, v13  }
0xdd: {  	v23 =	vmul.f32 v23, v20;
	v1 =	vld [tilespmem:s29+$0x6270];
	[tilespmem:s28+$0xE200] =	vst v12;
	v12 =	vadd.f32 $4.166666790e-02, v24;
	v24 =	vadd.f32 $4.166666790e-02, v25  }
0xde: {  	v30 =	vmul.f32 v13, v27;
	v14 =	vmul.f32 v15, v14  }
0xdf: {  	v26 =	vld [tilespmem:s28+$0x2260];
	v15 =	vmul.f32 $2.480158760e-05, v2;
	v24 =	vmul.f32 v24, v20  }
0xe0: {  	v22 =	vadd.f32 $-1.666666720e-01, v22;
	v28 =	vld [tilespmem:s29+$0x2230];
	v25 =	vmul.f32 $1.984127010e-04, v2;
	v12 =	vmul.f32 v12, v19  }
0xe1: {  	v5 =	vmul.f32 v3, v3;
	v23 =	vadd.f32 $-1.666666720e-01, v23;
	v29 =	vld [tilespmem:s29+$0x2200];
	v24 =	vadd.f32 $-5.000000000e-01, v24  }
0xe2: {  	v22 =	vmul.f32 v22, v19;
	v11 =	vsub.f32 $8.333333770e-03, v25;
	v25 =	vadd.f32 $-5.000000000e-01, v12;
	v12 =	vld [tilespmem:s28+$0x2210]  }
0xe3: {  	v14 =	vadd.f32 $1.000000000e+00, v14;
	v23 =	vmul.f32 v23, v20;
	v20 =	vmul.f32 v24, v20;
	v24 =	vld [tilespmem:s29+$0x2270]  }
0xe4: {  	v22 =	vadd.f32 $1.000000000e+00, v22;
	v19 =	vmul.f32 v25, v19;
	v25 =	vmul.f32 v13, v26;
	v13 =	vld [tilespmem:s29+$0x2240]  }
0xe5: {  	v32 =	vmul.f32 $1.984127010e-04, v5;
	v35 =	vmul.f32 $2.480158760e-05, v5;
	v23 =	vadd.f32 $1.000000000e+00, v23  }
0xe6: {  	v16 =	vmul.f32 v22, v16;
	v22 =	vadd.f32 $-5.000000000e-01, v18;
	v31 =	vadd.f32 $1.000000000e+00, v19  }
0xe7: {  	v33 =	vld [tilespmem:s29+$0x6230];
	v17 =	vmul.f32 v23, v17;
	v19 =	vadd.f32 $1.000000000e+00, v20;
	v18 =	vmul.f32 v21, v12  }
0xe8: {  	v34 =	vadd.f32 $-1.388888920e-03, v15;
	v20 =	vmul.f32 v31, v28;
	v15 =	vmul.f32 v16, v24  }
0xe9: {  	v32 =	vsub.f32 $8.333333770e-03, v32;
	v23 =	vmul.f32 v19, v29;
	v21 =	vmul.f32 v17, v13  }
0xea: {  	v36 =	vld [tilespmem:s29+$0x6200];
	v13 =	vmul.f32 v19, v13;
	v17 =	vmul.f32 v17, v29;
	v15 =	vsub.f32 v20, v15  }
0xeb: {  	v37 =	vld [tilespmem:s29+$0x6240];
	v29 =	vadd.f32 $-1.388888920e-03, v35;
	v20 =	vmul.f32 v22, v10;
	v22 =	vmul.f32 v14, v27  }
0xec: {  	v19 =	vmul.f32 v32, v5;
	v23 =	vsub.f32 v23, v21;
	v21 =	vld [tilespmem:s28+$0x6260];
	v27 =	vsub.f32 v15, v33  }
0xed: {  	v16 =	vmul.f32 v16, v28;
	v15 =	vmul.f32 v31, v24;
	v22 =	vsub.f32 v22, v25;
	v24 =	vld [tilespmem:s28+$0x6220]  }
0xee: {  	v8 =	vld [tilespmem:s28+$0x6210];
	v25 =	vadd.f32 v13, v17;
	v13 =	vmul.f32 v27, v27;
	v27 =	vmul.f32 v14, v26  }
0xef: {  	v10 =	vld [tilespmem:s29+$0x6210];
	v17 =	vmul.f32 v34, v2;
	v26 =	vsub.f32 v23, v36;
	v23 =	vadd.f32 $1.000000000e+00, v20  }
0xf0: {  	s30 =	simm.s32 $0x400;
	v25 =	vsub.f32 v25, v37;
	v14 =	vmul.f32 v29, v5;
	v20 =	vld [tilespmem:s28+$0x6250];
	v27 =	vadd.f32 v27, v30  }
.LBB2_4:
0xf1: {  	s31 =	sshra.s32 s30, $0x2;
	p0 =	sne.s32 s30, $0x7E00;
	s30 =	sadd.s32 $0x200, s30;
	v26 =	vmul.f32 v26, v26;
	v19 =	vadd.f32 $-1.666666720e-01, v19;
	v28 =	vmul.f32 v23, v7;
	v7 =	vld [tilespmem:s29+$0x2250]  }
0xf2: {  	v29 =	vld [tilespmem:s31+$0xA270];
	v25 =	vmul.f32 v25, v25;
	v22 =	vsub.f32 v22, v24;
	v21 =	vsub.f32 v27, v21  }
0xf3: {  	v15 =	vadd.f32 v15, v16;
	v24 =	vld [tilespmem:s31+$0xA260];
	v19 =	vmul.f32 v19, v5;
	v16 =	vadd.f32 v28, v18  }
0xf4: {  	v11 =	vmul.f32 v11, v2;
	v18 =	vld [tilespmem:s31+$0xA240];
	v25 =	vadd.f32 v25, v26;
	v21 =	vmul.f32 v21, v21  }
0xf5: {  	v12 =	vmul.f32 v23, v12;
	v22 =	vmul.f32 v22, v22;
	v26 =	vld [tilespmem:s31+$0xA250];
	v19 =	vadd.f32 $1.000000000e+00, v19  }
0xf6: {  	v23 =	vmul.f32 v6, v6;
	v11 =	vadd.f32 $-1.666666720e-01, v11;
	v6 =	vsub.f32 v15, v1;
	[tilespmem:s29+$0xE200] =	vst v25;
	v1 =	vld [tilespmem:s31+$0x6270]  }
0xf7: {  	v9 =	vsub.f32 v12, v9;
	v12 =	vadd.f32 v21, v22;
	v15 =	vld [tilespmem:s31+$0x6210];
	v25 =	vmul.f32 v29, v29  }
0xf8: {  	v11 =	vmul.f32 v11, v2;
	v16 =	vsub.f32 v16, v20;
	v21 =	vmul.f32 v24, v24  }
0xf9: {  	v22 =	vsub.f32 v9, v8;
	v19 =	vmul.f32 v19, v3;
	v20 =	vmul.f32 v18, v18;
	[tilespmem:s28+$0xE220] =	vst v12  }
0xfa: {  	v23 =	vadd.f32 v23, v4;
	v8 =	vmovc v10;
	v16 =	vmul.f32 v16, v16;
	v12 =	vmul.f32 $2.480158760e-05, v25;
	v3 =	vmovc v26  }
0xfb: {  	v17 =	vadd.f32 $4.166666790e-02, v17;
	v4 =	vmovc v13;
	v9 =	vmul.f32 v19, v7;
	v27 =	vmul.f32 $2.480158760e-05, v20  }
0xfc: {  	v22 =	vmul.f32 v22, v22;
	v13 =	vmul.f32 $1.984127010e-04, v25;
	v12 =	vadd.f32 $-1.388888920e-03, v12;
	[tilespmem:s28+$0xE230] =	vst v23;
	v10 =	vmovc v15  }
0xfd: {  	v17 =	vmul.f32 v17, v2;
	v23 =	vmul.f32 $1.984127010e-04, v20;
	v15 =	vadd.f32 $-1.388888920e-03, v27  }
0xfe: {  	v16 =	vadd.f32 v16, v22;
	v13 =	vsub.f32 $8.333333770e-03, v13;
	v12 =	vmul.f32 v12, v25  }
0xff: {  	v22 =	vsub.f32 $8.333333770e-03, v23;
	v23 =	vmul.f32 v26, v3;
	v15 =	vmul.f32 v15, v20  }
0x100: {  	v17 =	vadd.f32 $-5.000000000e-01, v17;
	v13 =	vmul.f32 v13, v25;
	v12 =	vadd.f32 $4.166666790e-02, v12;
	[tilespmem:s28+$0xE210] =	vst v16;
	s28 =	smov.u32 s29;
	s29 =	smov.u32 s31  }
0x101: {  	v16 =	vmul.f32 v22, v20;
	v22 =	vmul.f32 $1.984127010e-04, v21;
	v15 =	vadd.f32 $4.166666790e-02, v15;
	v26 =	vld [tilespmem:s28+$0x2260]  }
0x102: {  	v28 =	vadd.f32 $1.000000000e+00, v11;
	v13 =	vadd.f32 $-1.666666720e-01, v13;
	v12 =	vmul.f32 v12, v25;
	v27 =	vld [tilespmem:s28+$0x2220]  }
0x103: {  	v16 =	vadd.f32 $-1.666666720e-01, v16;
	v11 =	vsub.f32 $8.333333770e-03, v22;
	v15 =	vmul.f32 v15, v20  }
0x104: {  	v28 =	vmul.f32 v28, v0;
	v0 =	vmovc v24;
	v13 =	vmul.f32 v13, v25;
	v22 =	vadd.f32 $-5.000000000e-01, v12;
	v12 =	vld [tilespmem:s28+$0x2210]  }
0x105: {  	v14 =	vadd.f32 $4.166666790e-02, v14;
	v16 =	vmul.f32 v16, v20;
	v15 =	vadd.f32 $-5.000000000e-01, v15;
	v24 =	vld [tilespmem:s29+$0x2230]  }
0x106: {  	v13 =	vadd.f32 $1.000000000e+00, v13;
	v22 =	vmul.f32 v22, v25;
	v30 =	vld [tilespmem:s29+$0x2200];
	v25 =	vmul.f32 v28, v26  }
0x107: {  	v16 =	vadd.f32 $1.000000000e+00, v16;
	v15 =	vmul.f32 v15, v20;
	v20 =	vld [tilespmem:s29+$0x2270];
	v28 =	vmul.f32 v28, v27  }
0x108: {  	v14 =	vmul.f32 v14, v5;
	v13 =	vmul.f32 v13, v29;
	v22 =	vadd.f32 $1.000000000e+00, v22;
	v31 =	vld [tilespmem:s29+$0x2240]  }
0x109: {  	v17 =	vmul.f32 v17, v2;
	v2 =	vmovc v21;
	v16 =	vmul.f32 v16, v18;
	v15 =	vadd.f32 $1.000000000e+00, v15  }
0x10a: {  	v14 =	vadd.f32 $-5.000000000e-01, v14;
	v18 =	vmul.f32 $2.480158760e-05, v2;
	v21 =	vmul.f32 v22, v24  }
0x10b: {  	v17 =	vadd.f32 $1.000000000e+00, v17;
	v32 =	vmul.f32 $1.984127010e-04, v23;
	v29 =	vmul.f32 v15, v30;
	v33 =	vld [tilespmem:s29+$0x6230]  }
0x10c: {  	v35 =	vadd.f32 $-1.388888920e-03, v18;
	v18 =	vmul.f32 v19, v12;
	v34 =	vld [tilespmem:s29+$0x6240];
	v36 =	vmul.f32 v13, v20  }
0x10d: {  	v32 =	vsub.f32 $8.333333770e-03, v32;
	v19 =	vmul.f32 $2.480158760e-05, v23;
	v37 =	vmul.f32 v16, v31  }
0x10e: {  	v14 =	vmul.f32 v14, v5;
	v5 =	vmovc v23;
	v31 =	vmul.f32 v15, v31;
	v38 =	vld [tilespmem:s29+$0x6200];
	v15 =	vsub.f32 v21, v36  }
0x10f: {  	v27 =	vmul.f32 v17, v27;
	v23 =	vmul.f32 v16, v30;
	v30 =	vadd.f32 $-1.388888920e-03, v19  }
.Ltmp1:
0x110: {  	v19 =	vmul.f32 v32, v5;
	v32 =	vsub.f32 v15, v33;
	v15 =	vmul.f32 v22, v20;
	v21 =	vld [tilespmem:s28+$0x6260];
	(pc) =	sbr.rel @p0 .LBB2_4-.Ltmp1, $4  }
0x111: {  	v16 =	vmul.f32 v13, v24;
	v20 =	vsub.f32 v29, v37;
	v22 =	vsub.f32 v27, v25;
	v24 =	vld [tilespmem:s28+$0x6220]  }
0x112: {  	v25 =	vadd.f32 v31, v23;
	v27 =	vmul.f32 v17, v26;
	v13 =	vmul.f32 v32, v32  }
0x113: {  	v17 =	vmul.f32 v35, v2;
	v23 =	vadd.f32 $1.000000000e+00, v14;
	v26 =	vsub.f32 v20, v38  }
0x114: {  	v14 =	vmul.f32 v30, v5;
	v25 =	vsub.f32 v25, v34;
	v27 =	vadd.f32 v27, v28;
	v20 =	vld [tilespmem:s28+$0x6250]  }
0x115: {  	v7 =	vmul.f32 v23, v7;
	v12 =	vmul.f32 v23, v12  }
0x116: {  	v22 =	vsub.f32 v22, v24  }
0x117: {  	v37 =	vmul.f32 v26, v26;
	v7 =	vadd.f32 v7, v18;
	v9 =	vsub.f32 v12, v9  }
0x118: {  	v21 =	vsub.f32 v27, v21;
	v38 =	vmul.f32 v25, v25;
	v47 =	vadd.f32 $4.166666790e-02, v14  }
0x119: {  	v6 =	vmul.f32 v6, v6;
	v7 =	vsub.f32 v7, v20;
	v8 =	vsub.f32 v9, v8  }
0x11a: {  	v39 =	vmul.f32 v21, v21;
	v40 =	vmul.f32 v22, v22;
	v41 =	vadd.f32 v38, v37  }
0x11b: {  	v4 =	vadd.f32 v6, v4;
	v7 =	vmul.f32 v7, v7;
	v8 =	vmul.f32 v8, v8  }
0x11c: {  	v11 =	vmul.f32 v11, v2;
	v44 =	vadd.f32 $4.166666790e-02, v17;
	v18 =	vadd.f32 v39, v40;
	[tilespmem:s29+$0xE200] =	vst v41  }
0x11d: {  	v42 =	vld [tilespmem:s29+$0x2250];
	v45 =	vadd.f32 $-1.666666720e-01, v19;
	v9 =	vmul.f32 v47, v5;
	[tilespmem:s28+$0xE230] =	vst v4;
	v7 =	vadd.f32 v7, v8  }
0x11e: {  	v43 =	vadd.f32 $-1.666666720e-01, v11;
	[tilespmem:s28+$0xE220] =	vst v18  }
0x11f: {  	v6 =	vmul.f32 v44, v2;
	v4 =	vmul.f32 v45, v5;
	v51 =	vadd.f32 $-5.000000000e-01, v9;
	[tilespmem:s28+$0xE210] =	vst v7  }
0x120: {  	v46 =	vmul.f32 v43, v2;
	v7 =	vld [tilespmem:s29+$0x2260]  }
0x121: {  	v6 =	vadd.f32 $-5.000000000e-01, v6;
	v4 =	vadd.f32 $1.000000000e+00, v4;
	v54 =	vmul.f32 v51, v5;
	v48 =	vld [tilespmem:s29+$0x2220]  }
0x122: {  	v8 =	vadd.f32 $1.000000000e+00, v46  }
0x123: {  	v49 =	vmul.f32 v6, v2;
	v3 =	vmul.f32 v4, v3;
	v5 =	vadd.f32 $1.000000000e+00, v54;
	v50 =	vld [tilespmem:s29+$0x2210]  }
0x124: {  	v0 =	vmul.f32 v8, v0  }
0x125: {  	v2 =	vadd.f32 $1.000000000e+00, v49;
	v53 =	vld [tilespmem:s29+$0x6260];
	v56 =	vmul.f32 v3, v42;
	v12 =	vmul.f32 v5, v42  }
0x126: {  	v58 =	vadd.f32 v15, v16;
	v55 =	vld [tilespmem:s29+$0x6220];
	v52 =	vmul.f32 v0, v7;
	v0 =	vmul.f32 v0, v48  }
0x127: {  	v57 =	vld [tilespmem:s29+$0x6250];
	v11 =	vmul.f32 v2, v48;
	v2 =	vmul.f32 v2, v7  }
0x128: {  	v1 =	vsub.f32 v58, v1;
	v3 =	vmul.f32 v3, v50;
	v5 =	vmul.f32 v5, v50  }
0x129: {  	v4 =	vsub.f32 v11, v52;
	v0 =	vadd.f32 v2, v0  }
0x12a: {  	v3 =	vadd.f32 v12, v3;
	v5 =	vsub.f32 v5, v56  }
0x12b: {  	v4 =	vsub.f32 v4, v55;
	v0 =	vsub.f32 v0, v53  }
0x12c: {  	v1 =	vmul.f32 v1, v1;
	v3 =	vsub.f32 v3, v57;
	v60 =	vsub.f32 v5, v10  }
0x12d: {  	v0 =	vmul.f32 v0, v0;
	v59 =	vmul.f32 v4, v4  }
0x12e: {  	v1 =	vadd.f32 v1, v13;
	v61 =	vmul.f32 v3, v3;
	v62 =	vmul.f32 v60, v60  }
0x12f: {  	v0 =	vadd.f32 v0, v59  }
0x130: {  	[tilespmem:s29+$0xE230] =	vst v1;
	v63 =	vadd.f32 v61, v62  }
0x131: {  	[tilespmem:s29+$0xE220] =	vst v0  }
0x132: {  	s26 =	sadd.s32 $0x1, s26;
	[tilespmem:s29+$0xE210] =	vst v63  }
0x133: {  	[hbm4b:s7+s4] =	stream.linear.scatter [tilespmem:s24], [sflag:$0x3], $0x2000, $0x38;
	[tilespmem:$0x10200] =	vst v63  }
0x134: {  	p0 =	sne.s32 s26, s8;
	_ =	swait.ge [sflag:s25], $0x2000  }
.Ltmp2:
0x135: {  	[sflag:s25] =	ssyncset.done $0x0;
	(pc) =	sbr.rel @p0 .LBB2_1-.Ltmp2, $4  }
0x136: {  	[sflag:s25] =	ssyncadd.s32 $0xFFFFE000  }
0x137: {  	_ =	swait.ge [sflag:s25], $0x2000  }
0x138: {  	[sflag:s25] =	ssyncset.done $0x0  }
0x139: {  	[sflag:s25] =	ssyncadd.s32 $0xFFFFE000  }
0x13a: {  	_ =	sfence.sel $0x180000  }
0x13b: {  	[bflag:$0x0] =	sbarrier.arrive $0xFFFF  }
0x13c: {  	p0 =	sne.s32 s2, $0x0;
	_ =	strace $0x90000047  }
0x13d: {  	s0 =	sadd.s32 @!p0 $0x100000, s0;
	[bflag:$0x2] =	sbarrier.arrive $0xFFFF  }
0x13e: {  	[sflag:s0] =	ssyncadd.tile.s32 @!p0 $0x1;
	_ =	shalt  }
.Lfunc_end2:
_tile_overlayer_lowered:
.L_overlay_start_2:
0x13f: {  	(tag) =	ssettag $0x2  }
0x140: {  	s0 =	rddreg [dreg:$0x0];
	s2 =	stileid.u32  }
0x141: {  	s1 =	rddreg [dreg:$0x1];
	p0 =	sne.s32 s2, $0x0  }
0x142: {  	s3 =	rddreg [dreg:$0x2];
	[bflag:$0x3] =	sbarrier.arrive $0xFFFF;
	s2 =	simm.s32 @!p0 $0x1C04  }
0x143: {  	[timem:s3], [sflag:s2] =	dma.local @!p0 [hbm:s0], s1  }
0x144: {  	s0 =	simm.s32 @!p0 $0x4  }
0x145: {  	_ =	swait.ge @!p0 [sflag:s0], s1  }
0x146: {  	s1 =	ssub.s32 @!p0 $0x0, s1;
	[sflag:s0] =	ssyncset.done @!p0 $0x0  }
0x147: {  	[sflag:s0] =	ssyncadd.s32 @!p0 s1  }
0x148: {  	[bflag:$0x3] =	sbarrier.arrive $0xFFFF  }
0x149: {  	_ =	shalt  }

</sc_bundles>
